<compile_context>
chip_gen: v7x
topology: tpu7x:2x2x1
jax: 0.10.2.dev20260603
libtpu: 0.0.44.dev20260713+nightly
codegen_flags: <defaults>
</compile_context>

<pallas_src>
import functools

import jax
import jax.numpy as jnp
from jax import lax
from jax.experimental import pallas as pl
from jax.experimental.pallas import tpu as pltpu
from jax.experimental.pallas import tpu_sc as plsc

N = 100000
D = 128
V = 95
CHUNK = 400
NBUF = 2
NCHUNK = N // CHUNK
NW = 32
KMAX = -(-NCHUNK // NW)
REP = 64

_mesh = plsc.VectorSubcoreMesh(core_axis_name="c", subcore_axis_name="s")


@functools.partial(
    pl.kernel,
    mesh=_mesh,
    out_type=jax.ShapeDtypeStruct((N, D), jnp.float32),
    scratch_types=(
        [pltpu.VMEM((CHUNK,), jnp.int32) for _ in range(KMAX)]
        + [pltpu.VMEM((CHUNK, D), jnp.float32) for _ in range(NBUF)]
        + [pltpu.SemaphoreType.DMA, pltpu.SemaphoreType.DMA,
           pltpu.SemaphoreType.DMA]
    ),
)
def _embed_lookup(idx_hbm, table_hbm, out_hbm, *refs):
    idx_v = refs[:KMAX]
    rows_v = refs[KMAX:KMAX + NBUF]
    sem_i, sem_g, sem_o = refs[KMAX + NBUF:]
    wid = lax.axis_index("s") * 2 + lax.axis_index("c")

    def cbase(k):
        return pl.multiple_of((wid + NW * k) * CHUNK, 8)

    def idx_copy(k):
        return pltpu.make_async_copy(
            idx_hbm.at[pl.ds(cbase(k), CHUNK)], idx_v[k], sem_i)

    def gather_copy(k, s):
        return pltpu.make_async_copy(
            table_hbm.at[idx_v[k]], rows_v[s], sem_g)

    def out_copy(k, s):
        return pltpu.make_async_copy(
            rows_v[s], out_hbm.at[pl.ds(cbase(k), CHUNK)], sem_o)

    def when_present(k, fn):
        if (k + 1) * NW <= NCHUNK:
            fn()
        else:
            pl.when(wid + NW * k < NCHUNK)(fn)

    def prefetch_idx(k):
        def fn():
            idx_copy(k).start()
        return fn

    def drain_and_flip(k, s):
        def fn():
            gather_copy(k, s).wait()
            out_copy(k, s).start()
        return fn

    lanes95 = lax.iota(jnp.int32, 16) * V

    def start_chunk(k, s):
        def fn():
            idx_copy(k).wait()
            iv = idx_v[k]
            c = wid + NW * k

            def off_group(g, carry):
                ph = lax.rem(c + g, 4)
                sl = pl.ds(g * 16, 16)
                iv[sl] = iv[sl] + (lanes95 + ph * (16 * V))
                return carry

            lax.fori_loop(0, CHUNK // 16, off_group, 0)
            gather_copy(k, s).start()
        return fn

    def wait_out(k, s):
        def fn():
            out_copy(k, s).wait()
        return fn

    for k in range(KMAX):
        when_present(k, prefetch_idx(k))

    for k in range(KMAX):
        s = k % NBUF
        if k >= 1:
            when_present(k - 1, drain_and_flip(k - 1, (k - 1) % NBUF))
        if k >= NBUF:
            when_present(k - NBUF, wait_out(k - NBUF, s))
        when_present(k, start_chunk(k, s))

    kl = KMAX - 1
    when_present(kl, drain_and_flip(kl, kl % NBUF))
    for k in range(max(0, KMAX - NBUF), KMAX):
        when_present(k, wait_out(k, k % NBUF))


def kernel(atomic_num, table):
    table_rep = jnp.tile(table, (REP, 1))
    return _embed_lookup(atomic_num.astype(jnp.int32), table_rep)

# --- scband reference (transcript-rebuilt; emitter-appended) ---
"""Pipeline reference for scband-embedding-block-27994596835765 (READ-ONLY COPY).

The authoritative reference and input builder live on the scoring server;
editing this copy changes nothing except your own understanding.
"""

import jax, jax.numpy as jnp
import numpy as np

EMBED_DIM = 128
NUM_EMB = 95
N = 100000

def setup_inputs(seed: int = 0) -> dict:
    key = jax.random.key(seed)
    k1, k2 = jax.random.split(key)
    atomic_num = jax.random.randint(k1, (N,), 0, NUM_EMB, dtype=jnp.int64 if jax.config.jax_enable_x64 else jnp.int32)
    table = jax.random.normal(k2, (NUM_EMB, EMBED_DIM), dtype=jnp.float32)
    # nn.Embedding with padding_idx=0 initializes row 0 to zeros
    table = table.at[0].set(0.0)
    return {"atomic_num": atomic_num, "table": table}

def reference(atomic_num, table):
    # nn.Embedding lookup: gather rows of the table by index
    node_feat = jnp.take(table, atomic_num, axis=0)
    return node_feat

if __name__ == "__main__":
    import jax
    _d = setup_inputs()
    print(jax.jit(kernel)(*tuple(_d.values())))

</pallas_src>

<mosaic_0001>
#map = affine_map<(d0, d1) -> (0)>
#map1 = affine_map<(d0, d1) -> (0, 0)>
module attributes {stable_mosaic.version = 14 : i64} {
  func.func @_embed_lookup(%arg0: i32, %arg1: i32, %arg2: memref<100000xi32, #tpu.memory_space<hbm>>, %arg3: memref<6080x128xf32, #tpu.memory_space<hbm>>, %arg4: memref<100000x128xf32, #tpu.memory_space<hbm>>, %arg5: memref<400xi32, #tpu.memory_space<vmem>>, %arg6: memref<400xi32, #tpu.memory_space<vmem>>, %arg7: memref<400xi32, #tpu.memory_space<vmem>>, %arg8: memref<400xi32, #tpu.memory_space<vmem>>, %arg9: memref<400xi32, #tpu.memory_space<vmem>>, %arg10: memref<400xi32, #tpu.memory_space<vmem>>, %arg11: memref<400xi32, #tpu.memory_space<vmem>>, %arg12: memref<400xi32, #tpu.memory_space<vmem>>, %arg13: memref<400x128xf32, #tpu.memory_space<vmem>>, %arg14: memref<400x128xf32, #tpu.memory_space<vmem>>, %arg15: memref<!tpu.dma_semaphore, #tpu.memory_space<semaphore_mem>>, %arg16: memref<!tpu.dma_semaphore, #tpu.memory_space<semaphore_mem>>, %arg17: memref<!tpu.dma_semaphore, #tpu.memory_space<semaphore_mem>>) attributes {dimension_semantics = [#tpu.dimension_semantics<core_parallel>, #tpu.dimension_semantics<subcore_parallel>], iteration_bounds = array<i64: 2, 16>, scalar_prefetch = 0 : i64, scratch_operands = 13 : i64, tpu.core_type = #tpu.core_type<sc_vector_subcore>, window_params = [{transform_indices = #map}, {transform_indices = #map1}, {transform_indices = #map1}]} {
    %mul3A = arith.constant 2 : i32
    %mul3A_0 = arith.muli %arg1, %mul3A : i32
    %add3A = arith.addi %mul3A_0, %arg0 : i32
    %iota3A = tpu.iota {dimensions = array<i32: 0>} : vector<16xi32>
    %mul3A_1 = arith.constant 95 : i32
    %mul3A_2 = vector.broadcast %mul3A_1 : i32 to vector<16xi32>
    %mul3A_3 = arith.muli %iota3A, %mul3A_2 : vector<16xi32>
    %add3A_4 = arith.constant 0 : i32
    %add3A_5 = arith.addi %add3A, %add3A_4 : i32
    %mul3A_6 = arith.constant 400 : i32
    %mul3A_7 = arith.muli %add3A_5, %mul3A_6 : i32
    %multiple_of3A = tpu.assume_multiple %mul3A_7, 8 : i32
    %dma_start3A = tpu.memref_slice %arg2[%multiple_of3A] : memref<100000xi32, #tpu.memory_space<hbm>> -> memref<400xi32, #tpu.memory_space<hbm>>
    %dma_start3A_8 = tpu.memref_slice %arg2[%multiple_of3A] : memref<100000xi32, #tpu.memory_space<hbm>> -> memref<400xi32, #tpu.memory_space<hbm>>
    tpu.enqueue_dma source(%dma_start3A_8 : memref<400xi32, #tpu.memory_space<hbm>>) target(%arg5 : memref<400xi32, #tpu.memory_space<vmem>>) target_semaphore(%arg15 : memref<!tpu.dma_semaphore, #tpu.memory_space<semaphore_mem>>)
    %add3A_9 = arith.constant 32 : i32
    %add3A_10 = arith.addi %add3A, %add3A_9 : i32
    %mul3A_11 = arith.constant 400 : i32
    %mul3A_12 = arith.muli %add3A_10, %mul3A_11 : i32
    %multiple_of3A_13 = tpu.assume_multiple %mul3A_12, 8 : i32
    %dma_start3A_14 = tpu.memref_slice %arg2[%multiple_of3A_13] : memref<100000xi32, #tpu.memory_space<hbm>> -> memref<400xi32, #tpu.memory_space<hbm>>
    %dma_start3A_15 = tpu.memref_slice %arg2[%multiple_of3A_13] : memref<100000xi32, #tpu.memory_space<hbm>> -> memref<400xi32, #tpu.memory_space<hbm>>
    tpu.enqueue_dma source(%dma_start3A_15 : memref<400xi32, #tpu.memory_space<hbm>>) target(%arg6 : memref<400xi32, #tpu.memory_space<vmem>>) target_semaphore(%arg15 : memref<!tpu.dma_semaphore, #tpu.memory_space<semaphore_mem>>)
    %add3A_16 = arith.constant 64 : i32
    %add3A_17 = arith.addi %add3A, %add3A_16 : i32
    %mul3A_18 = arith.constant 400 : i32
    %mul3A_19 = arith.muli %add3A_17, %mul3A_18 : i32
    %multiple_of3A_20 = tpu.assume_multiple %mul3A_19, 8 : i32
    %dma_start3A_21 = tpu.memref_slice %arg2[%multiple_of3A_20] : memref<100000xi32, #tpu.memory_space<hbm>> -> memref<400xi32, #tpu.memory_space<hbm>>
    %dma_start3A_22 = tpu.memref_slice %arg2[%multiple_of3A_20] : memref<100000xi32, #tpu.memory_space<hbm>> -> memref<400xi32, #tpu.memory_space<hbm>>
    tpu.enqueue_dma source(%dma_start3A_22 : memref<400xi32, #tpu.memory_space<hbm>>) target(%arg7 : memref<400xi32, #tpu.memory_space<vmem>>) target_semaphore(%arg15 : memref<!tpu.dma_semaphore, #tpu.memory_space<semaphore_mem>>)
    %add3A_23 = arith.constant 96 : i32
    %add3A_24 = arith.addi %add3A, %add3A_23 : i32
    %mul3A_25 = arith.constant 400 : i32
    %mul3A_26 = arith.muli %add3A_24, %mul3A_25 : i32
    %multiple_of3A_27 = tpu.assume_multiple %mul3A_26, 8 : i32
    %dma_start3A_28 = tpu.memref_slice %arg2[%multiple_of3A_27] : memref<100000xi32, #tpu.memory_space<hbm>> -> memref<400xi32, #tpu.memory_space<hbm>>
    %dma_start3A_29 = tpu.memref_slice %arg2[%multiple_of3A_27] : memref<100000xi32, #tpu.memory_space<hbm>> -> memref<400xi32, #tpu.memory_space<hbm>>
    tpu.enqueue_dma source(%dma_start3A_29 : memref<400xi32, #tpu.memory_space<hbm>>) target(%arg8 : memref<400xi32, #tpu.memory_space<vmem>>) target_semaphore(%arg15 : memref<!tpu.dma_semaphore, #tpu.memory_space<semaphore_mem>>)
    %add3A_30 = arith.constant 128 : i32
    %add3A_31 = arith.addi %add3A, %add3A_30 : i32
    %mul3A_32 = arith.constant 400 : i32
    %mul3A_33 = arith.muli %add3A_31, %mul3A_32 : i32
    %multiple_of3A_34 = tpu.assume_multiple %mul3A_33, 8 : i32
    %dma_start3A_35 = tpu.memref_slice %arg2[%multiple_of3A_34] : memref<100000xi32, #tpu.memory_space<hbm>> -> memref<400xi32, #tpu.memory_space<hbm>>
    %dma_start3A_36 = tpu.memref_slice %arg2[%multiple_of3A_34] : memref<100000xi32, #tpu.memory_space<hbm>> -> memref<400xi32, #tpu.memory_space<hbm>>
    tpu.enqueue_dma source(%dma_start3A_36 : memref<400xi32, #tpu.memory_space<hbm>>) target(%arg9 : memref<400xi32, #tpu.memory_space<vmem>>) target_semaphore(%arg15 : memref<!tpu.dma_semaphore, #tpu.memory_space<semaphore_mem>>)
    %add3A_37 = arith.constant 160 : i32
    %add3A_38 = arith.addi %add3A, %add3A_37 : i32
    %mul3A_39 = arith.constant 400 : i32
    %mul3A_40 = arith.muli %add3A_38, %mul3A_39 : i32
    %multiple_of3A_41 = tpu.assume_multiple %mul3A_40, 8 : i32
    %dma_start3A_42 = tpu.memref_slice %arg2[%multiple_of3A_41] : memref<100000xi32, #tpu.memory_space<hbm>> -> memref<400xi32, #tpu.memory_space<hbm>>
    %dma_start3A_43 = tpu.memref_slice %arg2[%multiple_of3A_41] : memref<100000xi32, #tpu.memory_space<hbm>> -> memref<400xi32, #tpu.memory_space<hbm>>
    tpu.enqueue_dma source(%dma_start3A_43 : memref<400xi32, #tpu.memory_space<hbm>>) target(%arg10 : memref<400xi32, #tpu.memory_space<vmem>>) target_semaphore(%arg15 : memref<!tpu.dma_semaphore, #tpu.memory_space<semaphore_mem>>)
    %add3A_44 = arith.constant 192 : i32
    %add3A_45 = arith.addi %add3A, %add3A_44 : i32
    %mul3A_46 = arith.constant 400 : i32
    %mul3A_47 = arith.muli %add3A_45, %mul3A_46 : i32
    %multiple_of3A_48 = tpu.assume_multiple %mul3A_47, 8 : i32
    %dma_start3A_49 = tpu.memref_slice %arg2[%multiple_of3A_48] : memref<100000xi32, #tpu.memory_space<hbm>> -> memref<400xi32, #tpu.memory_space<hbm>>
    %dma_start3A_50 = tpu.memref_slice %arg2[%multiple_of3A_48] : memref<100000xi32, #tpu.memory_space<hbm>> -> memref<400xi32, #tpu.memory_space<hbm>>
    tpu.enqueue_dma source(%dma_start3A_50 : memref<400xi32, #tpu.memory_space<hbm>>) target(%arg11 : memref<400xi32, #tpu.memory_space<vmem>>) target_semaphore(%arg15 : memref<!tpu.dma_semaphore, #tpu.memory_space<semaphore_mem>>)
    %add3A_51 = arith.constant 224 : i32
    %add3A_52 = arith.addi %add3A, %add3A_51 : i32
    %lt3A = arith.constant 250 : i32
    %lt3A_53 = arith.cmpi slt, %add3A_52, %lt3A : i32
    %convert_element_type3A = arith.extui %lt3A_53 : i1 to i32
    %cond3A = arith.constant 0 : i32
    %cond3A_54 = arith.cmpi ne, %convert_element_type3A, %cond3A : i32
    scf.if %cond3A_54 {
      %add3A_347 = arith.constant 224 : i32
      %add3A_348 = arith.addi %add3A, %add3A_347 : i32
      %mul3A_349 = arith.constant 400 : i32
      %mul3A_350 = arith.muli %add3A_348, %mul3A_349 : i32
      %multiple_of3A_351 = tpu.assume_multiple %mul3A_350, 8 : i32
      %dma_start3A_352 = tpu.memref_slice %arg2[%multiple_of3A_351] : memref<100000xi32, #tpu.memory_space<hbm>> -> memref<400xi32, #tpu.memory_space<hbm>>
      %dma_start3A_353 = tpu.memref_slice %arg2[%multiple_of3A_351] : memref<100000xi32, #tpu.memory_space<hbm>> -> memref<400xi32, #tpu.memory_space<hbm>>
      tpu.enqueue_dma source(%dma_start3A_353 : memref<400xi32, #tpu.memory_space<hbm>>) target(%arg12 : memref<400xi32, #tpu.memory_space<vmem>>) target_semaphore(%arg15 : memref<!tpu.dma_semaphore, #tpu.memory_space<semaphore_mem>>)
    } else {
    }
    %add3A_55 = arith.constant 0 : i32
    %add3A_56 = arith.addi %add3A, %add3A_55 : i32
    %mul3A_57 = arith.constant 400 : i32
    %mul3A_58 = arith.muli %add3A_56, %mul3A_57 : i32
    %multiple_of3A_59 = tpu.assume_multiple %mul3A_58, 8 : i32
    %dma_wait3A = tpu.memref_slice %arg2[%multiple_of3A_59] : memref<100000xi32, #tpu.memory_space<hbm>> -> memref<400xi32, #tpu.memory_space<hbm>>
    %dma_wait3A_60 = tpu.memref_slice %arg2[%multiple_of3A_59] : memref<100000xi32, #tpu.memory_space<hbm>> -> memref<400xi32, #tpu.memory_space<hbm>>
    tpu.wait_dma2 semaphore(%arg15 : memref<!tpu.dma_semaphore, #tpu.memory_space<semaphore_mem>>) src(%dma_wait3A_60 : memref<400xi32, #tpu.memory_space<hbm>>) dst(%arg5 : memref<400xi32, #tpu.memory_space<vmem>>)
    %add3A_61 = arith.constant 0 : i32
    %add3A_62 = arith.addi %add3A, %add3A_61 : i32
    %scan3A = arith.constant 0 : i32
    %scan3A_63 = arith.constant 0 : i32
    %scan3A_64 = arith.constant 25 : i32
    %scan3A_65 = arith.addi %scan3A_63, %scan3A_64 : i32
    %scan3A_66 = arith.constant 1 : i32
    scf.for %scan3A_347 = %scan3A_63 to %scan3A_65 step %scan3A_66  : i32 {
      %add3A_348 = arith.addi %add3A_62, %scan3A_347 : i32
      %rem3A = arith.constant 4 : i32
      %rem3A_349 = arith.remsi %add3A_348, %rem3A : i32
      %mul3A_350 = arith.constant 16 : i32
      %mul3A_351 = arith.muli %scan3A_347, %mul3A_350 : i32
      %get3A = arith.index_cast %mul3A_351 : i32 to index
      %get3A_352 = tpu.vector_load %arg5[%get3A] {strides = array<i32>} : memref<400xi32, #tpu.memory_space<vmem>>, vector<16xi32>,
      %get3A_353 = vector.shape_cast %get3A_352 : vector<16xi32> to vector<16xi32>
      %mul3A_354 = arith.constant 1520 : i32
      %mul3A_355 = arith.muli %rem3A_349, %mul3A_354 : i32
      %add3A_356 = vector.broadcast %mul3A_355 : i32 to vector<16xi32>
      %add3A_357 = arith.addi %mul3A_3, %add3A_356 : vector<16xi32>
      %add3A_358 = arith.addi %get3A_353, %add3A_357 : vector<16xi32>
      %swap3A = arith.index_cast %mul3A_351 : i32 to index
      %swap3A_359 = tpu.vector_load %arg5[%swap3A] {strides = array<i32>} : memref<400xi32, #tpu.memory_space<vmem>>, vector<16xi32>,
      %swap3A_360 = vector.shape_cast %swap3A_359 : vector<16xi32> to vector<16xi32>
      %swap3A_361 = vector.shape_cast %add3A_358 : vector<16xi32> to vector<16xi32>
      tpu.vector_store %arg5[%swap3A], %swap3A_361 {strides = array<i32>} : memref<400xi32, #tpu.memory_space<vmem>>, vector<16xi32>,
    }
    %scan3A_67 = arith.constant 25 : i32
    %dma_start3A_68 = arith.constant 0 : i32
    %dma_start3A_69 = arith.constant 0 : i32
    %dma_start3A_70 = tpu.memref_slice %arg3[%dma_start3A_68, %dma_start3A_69] : memref<6080x128xf32, #tpu.memory_space<hbm>> -> memref<6080x128xf32, #tpu.memory_space<hbm>>
    tpu.enqueue_indirect_dma source(%dma_start3A_70 : memref<6080x128xf32, #tpu.memory_space<hbm>>) target(%arg13 : memref<400x128xf32, #tpu.memory_space<vmem>>) offsets(%arg5 : memref<400xi32, #tpu.memory_space<vmem>>) semaphore(%arg16 : memref<!tpu.dma_semaphore, #tpu.memory_space<semaphore_mem>>)
    %dma_wait3A_71 = arith.constant 0 : i32
    %dma_wait3A_72 = arith.constant 0 : i32
    %dma_wait3A_73 = tpu.memref_slice %arg3[%dma_wait3A_71, %dma_wait3A_72] : memref<6080x128xf32, #tpu.memory_space<hbm>> -> memref<6080x128xf32, #tpu.memory_space<hbm>>
    tpu.wait_indirect_dma semaphore(%arg16 : memref<!tpu.dma_semaphore, #tpu.memory_space<semaphore_mem>>) src(%dma_wait3A_73 : memref<6080x128xf32, #tpu.memory_space<hbm>>) dst(%arg13 : memref<400x128xf32, #tpu.memory_space<vmem>>)
    %add3A_74 = arith.constant 0 : i32
    %add3A_75 = arith.addi %add3A, %add3A_74 : i32
    %mul3A_76 = arith.constant 400 : i32
    %mul3A_77 = arith.muli %add3A_75, %mul3A_76 : i32
    %multiple_of3A_78 = tpu.assume_multiple %mul3A_77, 8 : i32
    %dma_start3A_79 = arith.constant 0 : i32
    %dma_start3A_80 = tpu.memref_slice %arg4[%multiple_of3A_78, %dma_start3A_79] : memref<100000x128xf32, #tpu.memory_space<hbm>> -> memref<400x128xf32, #tpu.memory_space<hbm>>
    %dma_start3A_81 = arith.constant 0 : i32
    %dma_start3A_82 = tpu.memref_slice %arg4[%multiple_of3A_78, %dma_start3A_81] : memref<100000x128xf32, #tpu.memory_space<hbm>> -> memref<400x128xf32, #tpu.memory_space<hbm>>
    tpu.enqueue_dma source(%arg13 : memref<400x128xf32, #tpu.memory_space<vmem>>) target(%dma_start3A_82 : memref<400x128xf32, #tpu.memory_space<hbm>>) target_semaphore(%arg17 : memref<!tpu.dma_semaphore, #tpu.memory_space<semaphore_mem>>)
    %add3A_83 = arith.constant 32 : i32
    %add3A_84 = arith.addi %add3A, %add3A_83 : i32
    %mul3A_85 = arith.constant 400 : i32
    %mul3A_86 = arith.muli %add3A_84, %mul3A_85 : i32
    %multiple_of3A_87 = tpu.assume_multiple %mul3A_86, 8 : i32
    %dma_wait3A_88 = tpu.memref_slice %arg2[%multiple_of3A_87] : memref<100000xi32, #tpu.memory_space<hbm>> -> memref<400xi32, #tpu.memory_space<hbm>>
    %dma_wait3A_89 = tpu.memref_slice %arg2[%multiple_of3A_87] : memref<100000xi32, #tpu.memory_space<hbm>> -> memref<400xi32, #tpu.memory_space<hbm>>
    tpu.wait_dma2 semaphore(%arg15 : memref<!tpu.dma_semaphore, #tpu.memory_space<semaphore_mem>>) src(%dma_wait3A_89 : memref<400xi32, #tpu.memory_space<hbm>>) dst(%arg6 : memref<400xi32, #tpu.memory_space<vmem>>)
    %add3A_90 = arith.constant 32 : i32
    %add3A_91 = arith.addi %add3A, %add3A_90 : i32
    %scan3A_92 = arith.constant 0 : i32
    %scan3A_93 = arith.constant 0 : i32
    %scan3A_94 = arith.constant 25 : i32
    %scan3A_95 = arith.addi %scan3A_93, %scan3A_94 : i32
    %scan3A_96 = arith.constant 1 : i32
    scf.for %scan3A_347 = %scan3A_93 to %scan3A_95 step %scan3A_96  : i32 {
      %add3A_348 = arith.addi %add3A_91, %scan3A_347 : i32
      %rem3A = arith.constant 4 : i32
      %rem3A_349 = arith.remsi %add3A_348, %rem3A : i32
      %mul3A_350 = arith.constant 16 : i32
      %mul3A_351 = arith.muli %scan3A_347, %mul3A_350 : i32
      %get3A = arith.index_cast %mul3A_351 : i32 to index
      %get3A_352 = tpu.vector_load %arg6[%get3A] {strides = array<i32>} : memref<400xi32, #tpu.memory_space<vmem>>, vector<16xi32>,
      %get3A_353 = vector.shape_cast %get3A_352 : vector<16xi32> to vector<16xi32>
      %mul3A_354 = arith.constant 1520 : i32
      %mul3A_355 = arith.muli %rem3A_349, %mul3A_354 : i32
      %add3A_356 = vector.broadcast %mul3A_355 : i32 to vector<16xi32>
      %add3A_357 = arith.addi %mul3A_3, %add3A_356 : vector<16xi32>
      %add3A_358 = arith.addi %get3A_353, %add3A_357 : vector<16xi32>
      %swap3A = arith.index_cast %mul3A_351 : i32 to index
      %swap3A_359 = tpu.vector_load %arg6[%swap3A] {strides = array<i32>} : memref<400xi32, #tpu.memory_space<vmem>>, vector<16xi32>,
      %swap3A_360 = vector.shape_cast %swap3A_359 : vector<16xi32> to vector<16xi32>
      %swap3A_361 = vector.shape_cast %add3A_358 : vector<16xi32> to vector<16xi32>
      tpu.vector_store %arg6[%swap3A], %swap3A_361 {strides = array<i32>} : memref<400xi32, #tpu.memory_space<vmem>>, vector<16xi32>,
    }
    %scan3A_97 = arith.constant 25 : i32
    %dma_start3A_98 = arith.constant 0 : i32
    %dma_start3A_99 = arith.constant 0 : i32
    %dma_start3A_100 = tpu.memref_slice %arg3[%dma_start3A_98, %dma_start3A_99] : memref<6080x128xf32, #tpu.memory_space<hbm>> -> memref<6080x128xf32, #tpu.memory_space<hbm>>
    tpu.enqueue_indirect_dma source(%dma_start3A_100 : memref<6080x128xf32, #tpu.memory_space<hbm>>) target(%arg14 : memref<400x128xf32, #tpu.memory_space<vmem>>) offsets(%arg6 : memref<400xi32, #tpu.memory_space<vmem>>) semaphore(%arg16 : memref<!tpu.dma_semaphore, #tpu.memory_space<semaphore_mem>>)
    %dma_wait3A_101 = arith.constant 0 : i32
    %dma_wait3A_102 = arith.constant 0 : i32
    %dma_wait3A_103 = tpu.memref_slice %arg3[%dma_wait3A_101, %dma_wait3A_102] : memref<6080x128xf32, #tpu.memory_space<hbm>> -> memref<6080x128xf32, #tpu.memory_space<hbm>>
    tpu.wait_indirect_dma semaphore(%arg16 : memref<!tpu.dma_semaphore, #tpu.memory_space<semaphore_mem>>) src(%dma_wait3A_103 : memref<6080x128xf32, #tpu.memory_space<hbm>>) dst(%arg14 : memref<400x128xf32, #tpu.memory_space<vmem>>)
    %add3A_104 = arith.constant 32 : i32
    %add3A_105 = arith.addi %add3A, %add3A_104 : i32
    %mul3A_106 = arith.constant 400 : i32
    %mul3A_107 = arith.muli %add3A_105, %mul3A_106 : i32
    %multiple_of3A_108 = tpu.assume_multiple %mul3A_107, 8 : i32
    %dma_start3A_109 = arith.constant 0 : i32
    %dma_start3A_110 = tpu.memref_slice %arg4[%multiple_of3A_108, %dma_start3A_109] : memref<100000x128xf32, #tpu.memory_space<hbm>> -> memref<400x128xf32, #tpu.memory_space<hbm>>
    %dma_start3A_111 = arith.constant 0 : i32
    %dma_start3A_112 = tpu.memref_slice %arg4[%multiple_of3A_108, %dma_start3A_111] : memref<100000x128xf32, #tpu.memory_space<hbm>> -> memref<400x128xf32, #tpu.memory_space<hbm>>
    tpu.enqueue_dma source(%arg14 : memref<400x128xf32, #tpu.memory_space<vmem>>) target(%dma_start3A_112 : memref<400x128xf32, #tpu.memory_space<hbm>>) target_semaphore(%arg17 : memref<!tpu.dma_semaphore, #tpu.memory_space<semaphore_mem>>)
    %add3A_113 = arith.constant 0 : i32
    %add3A_114 = arith.addi %add3A, %add3A_113 : i32
    %mul3A_115 = arith.constant 400 : i32
    %mul3A_116 = arith.muli %add3A_114, %mul3A_115 : i32
    %multiple_of3A_117 = tpu.assume_multiple %mul3A_116, 8 : i32
    %dma_wait3A_118 = arith.constant 0 : i32
    %dma_wait3A_119 = tpu.memref_slice %arg4[%multiple_of3A_117, %dma_wait3A_118] : memref<100000x128xf32, #tpu.memory_space<hbm>> -> memref<400x128xf32, #tpu.memory_space<hbm>>
    %dma_wait3A_120 = arith.constant 0 : i32
    %dma_wait3A_121 = tpu.memref_slice %arg4[%multiple_of3A_117, %dma_wait3A_120] : memref<100000x128xf32, #tpu.memory_space<hbm>> -> memref<400x128xf32, #tpu.memory_space<hbm>>
    tpu.wait_dma2 semaphore(%arg17 : memref<!tpu.dma_semaphore, #tpu.memory_space<semaphore_mem>>) src(%arg13 : memref<400x128xf32, #tpu.memory_space<vmem>>) dst(%dma_wait3A_121 : memref<400x128xf32, #tpu.memory_space<hbm>>)
    %add3A_122 = arith.constant 64 : i32
    %add3A_123 = arith.addi %add3A, %add3A_122 : i32
    %mul3A_124 = arith.constant 400 : i32
    %mul3A_125 = arith.muli %add3A_123, %mul3A_124 : i32
    %multiple_of3A_126 = tpu.assume_multiple %mul3A_125, 8 : i32
    %dma_wait3A_127 = tpu.memref_slice %arg2[%multiple_of3A_126] : memref<100000xi32, #tpu.memory_space<hbm>> -> memref<400xi32, #tpu.memory_space<hbm>>
    %dma_wait3A_128 = tpu.memref_slice %arg2[%multiple_of3A_126] : memref<100000xi32, #tpu.memory_space<hbm>> -> memref<400xi32, #tpu.memory_space<hbm>>
    tpu.wait_dma2 semaphore(%arg15 : memref<!tpu.dma_semaphore, #tpu.memory_space<semaphore_mem>>) src(%dma_wait3A_128 : memref<400xi32, #tpu.memory_space<hbm>>) dst(%arg7 : memref<400xi32, #tpu.memory_space<vmem>>)
    %add3A_129 = arith.constant 64 : i32
    %add3A_130 = arith.addi %add3A, %add3A_129 : i32
    %scan3A_131 = arith.constant 0 : i32
    %scan3A_132 = arith.constant 0 : i32
    %scan3A_133 = arith.constant 25 : i32
    %scan3A_134 = arith.addi %scan3A_132, %scan3A_133 : i32
    %scan3A_135 = arith.constant 1 : i32
    scf.for %scan3A_347 = %scan3A_132 to %scan3A_134 step %scan3A_135  : i32 {
      %add3A_348 = arith.addi %add3A_130, %scan3A_347 : i32
      %rem3A = arith.constant 4 : i32
      %rem3A_349 = arith.remsi %add3A_348, %rem3A : i32
      %mul3A_350 = arith.constant 16 : i32
      %mul3A_351 = arith.muli %scan3A_347, %mul3A_350 : i32
      %get3A = arith.index_cast %mul3A_351 : i32 to index
      %get3A_352 = tpu.vector_load %arg7[%get3A] {strides = array<i32>} : memref<400xi32, #tpu.memory_space<vmem>>, vector<16xi32>,
      %get3A_353 = vector.shape_cast %get3A_352 : vector<16xi32> to vector<16xi32>
      %mul3A_354 = arith.constant 1520 : i32
      %mul3A_355 = arith.muli %rem3A_349, %mul3A_354 : i32
      %add3A_356 = vector.broadcast %mul3A_355 : i32 to vector<16xi32>
      %add3A_357 = arith.addi %mul3A_3, %add3A_356 : vector<16xi32>
      %add3A_358 = arith.addi %get3A_353, %add3A_357 : vector<16xi32>
      %swap3A = arith.index_cast %mul3A_351 : i32 to index
      %swap3A_359 = tpu.vector_load %arg7[%swap3A] {strides = array<i32>} : memref<400xi32, #tpu.memory_space<vmem>>, vector<16xi32>,
      %swap3A_360 = vector.shape_cast %swap3A_359 : vector<16xi32> to vector<16xi32>
      %swap3A_361 = vector.shape_cast %add3A_358 : vector<16xi32> to vector<16xi32>
      tpu.vector_store %arg7[%swap3A], %swap3A_361 {strides = array<i32>} : memref<400xi32, #tpu.memory_space<vmem>>, vector<16xi32>,
    }
    %scan3A_136 = arith.constant 25 : i32
    %dma_start3A_137 = arith.constant 0 : i32
    %dma_start3A_138 = arith.constant 0 : i32
    %dma_start3A_139 = tpu.memref_slice %arg3[%dma_start3A_137, %dma_start3A_138] : memref<6080x128xf32, #tpu.memory_space<hbm>> -> memref<6080x128xf32, #tpu.memory_space<hbm>>
    tpu.enqueue_indirect_dma source(%dma_start3A_139 : memref<6080x128xf32, #tpu.memory_space<hbm>>) target(%arg13 : memref<400x128xf32, #tpu.memory_space<vmem>>) offsets(%arg7 : memref<400xi32, #tpu.memory_space<vmem>>) semaphore(%arg16 : memref<!tpu.dma_semaphore, #tpu.memory_space<semaphore_mem>>)
    %dma_wait3A_140 = arith.constant 0 : i32
    %dma_wait3A_141 = arith.constant 0 : i32
    %dma_wait3A_142 = tpu.memref_slice %arg3[%dma_wait3A_140, %dma_wait3A_141] : memref<6080x128xf32, #tpu.memory_space<hbm>> -> memref<6080x128xf32, #tpu.memory_space<hbm>>
    tpu.wait_indirect_dma semaphore(%arg16 : memref<!tpu.dma_semaphore, #tpu.memory_space<semaphore_mem>>) src(%dma_wait3A_142 : memref<6080x128xf32, #tpu.memory_space<hbm>>) dst(%arg13 : memref<400x128xf32, #tpu.memory_space<vmem>>)
    %add3A_143 = arith.constant 64 : i32
    %add3A_144 = arith.addi %add3A, %add3A_143 : i32
    %mul3A_145 = arith.constant 400 : i32
    %mul3A_146 = arith.muli %add3A_144, %mul3A_145 : i32
    %multiple_of3A_147 = tpu.assume_multiple %mul3A_146, 8 : i32
    %dma_start3A_148 = arith.constant 0 : i32
    %dma_start3A_149 = tpu.memref_slice %arg4[%multiple_of3A_147, %dma_start3A_148] : memref<100000x128xf32, #tpu.memory_space<hbm>> -> memref<400x128xf32, #tpu.memory_space<hbm>>
    %dma_start3A_150 = arith.constant 0 : i32
    %dma_start3A_151 = tpu.memref_slice %arg4[%multiple_of3A_147, %dma_start3A_150] : memref<100000x128xf32, #tpu.memory_space<hbm>> -> memref<400x128xf32, #tpu.memory_space<hbm>>
    tpu.enqueue_dma source(%arg13 : memref<400x128xf32, #tpu.memory_space<vmem>>) target(%dma_start3A_151 : memref<400x128xf32, #tpu.memory_space<hbm>>) target_semaphore(%arg17 : memref<!tpu.dma_semaphore, #tpu.memory_space<semaphore_mem>>)
    %add3A_152 = arith.constant 32 : i32
    %add3A_153 = arith.addi %add3A, %add3A_152 : i32
    %mul3A_154 = arith.constant 400 : i32
    %mul3A_155 = arith.muli %add3A_153, %mul3A_154 : i32
    %multiple_of3A_156 = tpu.assume_multiple %mul3A_155, 8 : i32
    %dma_wait3A_157 = arith.constant 0 : i32
    %dma_wait3A_158 = tpu.memref_slice %arg4[%multiple_of3A_156, %dma_wait3A_157] : memref<100000x128xf32, #tpu.memory_space<hbm>> -> memref<400x128xf32, #tpu.memory_space<hbm>>
    %dma_wait3A_159 = arith.constant 0 : i32
    %dma_wait3A_160 = tpu.memref_slice %arg4[%multiple_of3A_156, %dma_wait3A_159] : memref<100000x128xf32, #tpu.memory_space<hbm>> -> memref<400x128xf32, #tpu.memory_space<hbm>>
    tpu.wait_dma2 semaphore(%arg17 : memref<!tpu.dma_semaphore, #tpu.memory_space<semaphore_mem>>) src(%arg14 : memref<400x128xf32, #tpu.memory_space<vmem>>) dst(%dma_wait3A_160 : memref<400x128xf32, #tpu.memory_space<hbm>>)
    %add3A_161 = arith.constant 96 : i32
    %add3A_162 = arith.addi %add3A, %add3A_161 : i32
    %mul3A_163 = arith.constant 400 : i32
    %mul3A_164 = arith.muli %add3A_162, %mul3A_163 : i32
    %multiple_of3A_165 = tpu.assume_multiple %mul3A_164, 8 : i32
    %dma_wait3A_166 = tpu.memref_slice %arg2[%multiple_of3A_165] : memref<100000xi32, #tpu.memory_space<hbm>> -> memref<400xi32, #tpu.memory_space<hbm>>
    %dma_wait3A_167 = tpu.memref_slice %arg2[%multiple_of3A_165] : memref<100000xi32, #tpu.memory_space<hbm>> -> memref<400xi32, #tpu.memory_space<hbm>>
    tpu.wait_dma2 semaphore(%arg15 : memref<!tpu.dma_semaphore, #tpu.memory_space<semaphore_mem>>) src(%dma_wait3A_167 : memref<400xi32, #tpu.memory_space<hbm>>) dst(%arg8 : memref<400xi32, #tpu.memory_space<vmem>>)
    %add3A_168 = arith.constant 96 : i32
    %add3A_169 = arith.addi %add3A, %add3A_168 : i32
    %scan3A_170 = arith.constant 0 : i32
    %scan3A_171 = arith.constant 0 : i32
    %scan3A_172 = arith.constant 25 : i32
    %scan3A_173 = arith.addi %scan3A_171, %scan3A_172 : i32
    %scan3A_174 = arith.constant 1 : i32
    scf.for %scan3A_347 = %scan3A_171 to %scan3A_173 step %scan3A_174  : i32 {
      %add3A_348 = arith.addi %add3A_169, %scan3A_347 : i32
      %rem3A = arith.constant 4 : i32
      %rem3A_349 = arith.remsi %add3A_348, %rem3A : i32
      %mul3A_350 = arith.constant 16 : i32
      %mul3A_351 = arith.muli %scan3A_347, %mul3A_350 : i32
      %get3A = arith.index_cast %mul3A_351 : i32 to index
      %get3A_352 = tpu.vector_load %arg8[%get3A] {strides = array<i32>} : memref<400xi32, #tpu.memory_space<vmem>>, vector<16xi32>,
      %get3A_353 = vector.shape_cast %get3A_352 : vector<16xi32> to vector<16xi32>
      %mul3A_354 = arith.constant 1520 : i32
      %mul3A_355 = arith.muli %rem3A_349, %mul3A_354 : i32
      %add3A_356 = vector.broadcast %mul3A_355 : i32 to vector<16xi32>
      %add3A_357 = arith.addi %mul3A_3, %add3A_356 : vector<16xi32>
      %add3A_358 = arith.addi %get3A_353, %add3A_357 : vector<16xi32>
      %swap3A = arith.index_cast %mul3A_351 : i32 to index
      %swap3A_359 = tpu.vector_load %arg8[%swap3A] {strides = array<i32>} : memref<400xi32, #tpu.memory_space<vmem>>, vector<16xi32>,
      %swap3A_360 = vector.shape_cast %swap3A_359 : vector<16xi32> to vector<16xi32>
      %swap3A_361 = vector.shape_cast %add3A_358 : vector<16xi32> to vector<16xi32>
      tpu.vector_store %arg8[%swap3A], %swap3A_361 {strides = array<i32>} : memref<400xi32, #tpu.memory_space<vmem>>, vector<16xi32>,
    }
    %scan3A_175 = arith.constant 25 : i32
    %dma_start3A_176 = arith.constant 0 : i32
    %dma_start3A_177 = arith.constant 0 : i32
    %dma_start3A_178 = tpu.memref_slice %arg3[%dma_start3A_176, %dma_start3A_177] : memref<6080x128xf32, #tpu.memory_space<hbm>> -> memref<6080x128xf32, #tpu.memory_space<hbm>>
    tpu.enqueue_indirect_dma source(%dma_start3A_178 : memref<6080x128xf32, #tpu.memory_space<hbm>>) target(%arg14 : memref<400x128xf32, #tpu.memory_space<vmem>>) offsets(%arg8 : memref<400xi32, #tpu.memory_space<vmem>>) semaphore(%arg16 : memref<!tpu.dma_semaphore, #tpu.memory_space<semaphore_mem>>)
    %dma_wait3A_179 = arith.constant 0 : i32
    %dma_wait3A_180 = arith.constant 0 : i32
    %dma_wait3A_181 = tpu.memref_slice %arg3[%dma_wait3A_179, %dma_wait3A_180] : memref<6080x128xf32, #tpu.memory_space<hbm>> -> memref<6080x128xf32, #tpu.memory_space<hbm>>
    tpu.wait_indirect_dma semaphore(%arg16 : memref<!tpu.dma_semaphore, #tpu.memory_space<semaphore_mem>>) src(%dma_wait3A_181 : memref<6080x128xf32, #tpu.memory_space<hbm>>) dst(%arg14 : memref<400x128xf32, #tpu.memory_space<vmem>>)
    %add3A_182 = arith.constant 96 : i32
    %add3A_183 = arith.addi %add3A, %add3A_182 : i32
    %mul3A_184 = arith.constant 400 : i32
    %mul3A_185 = arith.muli %add3A_183, %mul3A_184 : i32
    %multiple_of3A_186 = tpu.assume_multiple %mul3A_185, 8 : i32
    %dma_start3A_187 = arith.constant 0 : i32
    %dma_start3A_188 = tpu.memref_slice %arg4[%multiple_of3A_186, %dma_start3A_187] : memref<100000x128xf32, #tpu.memory_space<hbm>> -> memref<400x128xf32, #tpu.memory_space<hbm>>
    %dma_start3A_189 = arith.constant 0 : i32
    %dma_start3A_190 = tpu.memref_slice %arg4[%multiple_of3A_186, %dma_start3A_189] : memref<100000x128xf32, #tpu.memory_space<hbm>> -> memref<400x128xf32, #tpu.memory_space<hbm>>
    tpu.enqueue_dma source(%arg14 : memref<400x128xf32, #tpu.memory_space<vmem>>) target(%dma_start3A_190 : memref<400x128xf32, #tpu.memory_space<hbm>>) target_semaphore(%arg17 : memref<!tpu.dma_semaphore, #tpu.memory_space<semaphore_mem>>)
    %add3A_191 = arith.constant 64 : i32
    %add3A_192 = arith.addi %add3A, %add3A_191 : i32
    %mul3A_193 = arith.constant 400 : i32
    %mul3A_194 = arith.muli %add3A_192, %mul3A_193 : i32
    %multiple_of3A_195 = tpu.assume_multiple %mul3A_194, 8 : i32
    %dma_wait3A_196 = arith.constant 0 : i32
    %dma_wait3A_197 = tpu.memref_slice %arg4[%multiple_of3A_195, %dma_wait3A_196] : memref<100000x128xf32, #tpu.memory_space<hbm>> -> memref<400x128xf32, #tpu.memory_space<hbm>>
    %dma_wait3A_198 = arith.constant 0 : i32
    %dma_wait3A_199 = tpu.memref_slice %arg4[%multiple_of3A_195, %dma_wait3A_198] : memref<100000x128xf32, #tpu.memory_space<hbm>> -> memref<400x128xf32, #tpu.memory_space<hbm>>
    tpu.wait_dma2 semaphore(%arg17 : memref<!tpu.dma_semaphore, #tpu.memory_space<semaphore_mem>>) src(%arg13 : memref<400x128xf32, #tpu.memory_space<vmem>>) dst(%dma_wait3A_199 : memref<400x128xf32, #tpu.memory_space<hbm>>)
    %add3A_200 = arith.constant 128 : i32
    %add3A_201 = arith.addi %add3A, %add3A_200 : i32
    %mul3A_202 = arith.constant 400 : i32
    %mul3A_203 = arith.muli %add3A_201, %mul3A_202 : i32
    %multiple_of3A_204 = tpu.assume_multiple %mul3A_203, 8 : i32
    %dma_wait3A_205 = tpu.memref_slice %arg2[%multiple_of3A_204] : memref<100000xi32, #tpu.memory_space<hbm>> -> memref<400xi32, #tpu.memory_space<hbm>>
    %dma_wait3A_206 = tpu.memref_slice %arg2[%multiple_of3A_204] : memref<100000xi32, #tpu.memory_space<hbm>> -> memref<400xi32, #tpu.memory_space<hbm>>
    tpu.wait_dma2 semaphore(%arg15 : memref<!tpu.dma_semaphore, #tpu.memory_space<semaphore_mem>>) src(%dma_wait3A_206 : memref<400xi32, #tpu.memory_space<hbm>>) dst(%arg9 : memref<400xi32, #tpu.memory_space<vmem>>)
    %add3A_207 = arith.constant 128 : i32
    %add3A_208 = arith.addi %add3A, %add3A_207 : i32
    %scan3A_209 = arith.constant 0 : i32
    %scan3A_210 = arith.constant 0 : i32
    %scan3A_211 = arith.constant 25 : i32
    %scan3A_212 = arith.addi %scan3A_210, %scan3A_211 : i32
    %scan3A_213 = arith.constant 1 : i32
    scf.for %scan3A_347 = %scan3A_210 to %scan3A_212 step %scan3A_213  : i32 {
      %add3A_348 = arith.addi %add3A_208, %scan3A_347 : i32
      %rem3A = arith.constant 4 : i32
      %rem3A_349 = arith.remsi %add3A_348, %rem3A : i32
      %mul3A_350 = arith.constant 16 : i32
      %mul3A_351 = arith.muli %scan3A_347, %mul3A_350 : i32
      %get3A = arith.index_cast %mul3A_351 : i32 to index
      %get3A_352 = tpu.vector_load %arg9[%get3A] {strides = array<i32>} : memref<400xi32, #tpu.memory_space<vmem>>, vector<16xi32>,
      %get3A_353 = vector.shape_cast %get3A_352 : vector<16xi32> to vector<16xi32>
      %mul3A_354 = arith.constant 1520 : i32
      %mul3A_355 = arith.muli %rem3A_349, %mul3A_354 : i32
      %add3A_356 = vector.broadcast %mul3A_355 : i32 to vector<16xi32>
      %add3A_357 = arith.addi %mul3A_3, %add3A_356 : vector<16xi32>
      %add3A_358 = arith.addi %get3A_353, %add3A_357 : vector<16xi32>
      %swap3A = arith.index_cast %mul3A_351 : i32 to index
      %swap3A_359 = tpu.vector_load %arg9[%swap3A] {strides = array<i32>} : memref<400xi32, #tpu.memory_space<vmem>>, vector<16xi32>,
      %swap3A_360 = vector.shape_cast %swap3A_359 : vector<16xi32> to vector<16xi32>
      %swap3A_361 = vector.shape_cast %add3A_358 : vector<16xi32> to vector<16xi32>
      tpu.vector_store %arg9[%swap3A], %swap3A_361 {strides = array<i32>} : memref<400xi32, #tpu.memory_space<vmem>>, vector<16xi32>,
    }
    %scan3A_214 = arith.constant 25 : i32
    %dma_start3A_215 = arith.constant 0 : i32
    %dma_start3A_216 = arith.constant 0 : i32
    %dma_start3A_217 = tpu.memref_slice %arg3[%dma_start3A_215, %dma_start3A_216] : memref<6080x128xf32, #tpu.memory_space<hbm>> -> memref<6080x128xf32, #tpu.memory_space<hbm>>
    tpu.enqueue_indirect_dma source(%dma_start3A_217 : memref<6080x128xf32, #tpu.memory_space<hbm>>) target(%arg13 : memref<400x128xf32, #tpu.memory_space<vmem>>) offsets(%arg9 : memref<400xi32, #tpu.memory_space<vmem>>) semaphore(%arg16 : memref<!tpu.dma_semaphore, #tpu.memory_space<semaphore_mem>>)
    %dma_wait3A_218 = arith.constant 0 : i32
    %dma_wait3A_219 = arith.constant 0 : i32
    %dma_wait3A_220 = tpu.memref_slice %arg3[%dma_wait3A_218, %dma_wait3A_219] : memref<6080x128xf32, #tpu.memory_space<hbm>> -> memref<6080x128xf32, #tpu.memory_space<hbm>>
    tpu.wait_indirect_dma semaphore(%arg16 : memref<!tpu.dma_semaphore, #tpu.memory_space<semaphore_mem>>) src(%dma_wait3A_220 : memref<6080x128xf32, #tpu.memory_space<hbm>>) dst(%arg13 : memref<400x128xf32, #tpu.memory_space<vmem>>)
    %add3A_221 = arith.constant 128 : i32
    %add3A_222 = arith.addi %add3A, %add3A_221 : i32
    %mul3A_223 = arith.constant 400 : i32
    %mul3A_224 = arith.muli %add3A_222, %mul3A_223 : i32
    %multiple_of3A_225 = tpu.assume_multiple %mul3A_224, 8 : i32
    %dma_start3A_226 = arith.constant 0 : i32
    %dma_start3A_227 = tpu.memref_slice %arg4[%multiple_of3A_225, %dma_start3A_226] : memref<100000x128xf32, #tpu.memory_space<hbm>> -> memref<400x128xf32, #tpu.memory_space<hbm>>
    %dma_start3A_228 = arith.constant 0 : i32
    %dma_start3A_229 = tpu.memref_slice %arg4[%multiple_of3A_225, %dma_start3A_228] : memref<100000x128xf32, #tpu.memory_space<hbm>> -> memref<400x128xf32, #tpu.memory_space<hbm>>
    tpu.enqueue_dma source(%arg13 : memref<400x128xf32, #tpu.memory_space<vmem>>) target(%dma_start3A_229 : memref<400x128xf32, #tpu.memory_space<hbm>>) target_semaphore(%arg17 : memref<!tpu.dma_semaphore, #tpu.memory_space<semaphore_mem>>)
    %add3A_230 = arith.constant 96 : i32
    %add3A_231 = arith.addi %add3A, %add3A_230 : i32
    %mul3A_232 = arith.constant 400 : i32
    %mul3A_233 = arith.muli %add3A_231, %mul3A_232 : i32
    %multiple_of3A_234 = tpu.assume_multiple %mul3A_233, 8 : i32
    %dma_wait3A_235 = arith.constant 0 : i32
    %dma_wait3A_236 = tpu.memref_slice %arg4[%multiple_of3A_234, %dma_wait3A_235] : memref<100000x128xf32, #tpu.memory_space<hbm>> -> memref<400x128xf32, #tpu.memory_space<hbm>>
    %dma_wait3A_237 = arith.constant 0 : i32
    %dma_wait3A_238 = tpu.memref_slice %arg4[%multiple_of3A_234, %dma_wait3A_237] : memref<100000x128xf32, #tpu.memory_space<hbm>> -> memref<400x128xf32, #tpu.memory_space<hbm>>
    tpu.wait_dma2 semaphore(%arg17 : memref<!tpu.dma_semaphore, #tpu.memory_space<semaphore_mem>>) src(%arg14 : memref<400x128xf32, #tpu.memory_space<vmem>>) dst(%dma_wait3A_238 : memref<400x128xf32, #tpu.memory_space<hbm>>)
    %add3A_239 = arith.constant 160 : i32
    %add3A_240 = arith.addi %add3A, %add3A_239 : i32
    %mul3A_241 = arith.constant 400 : i32
    %mul3A_242 = arith.muli %add3A_240, %mul3A_241 : i32
    %multiple_of3A_243 = tpu.assume_multiple %mul3A_242, 8 : i32
    %dma_wait3A_244 = tpu.memref_slice %arg2[%multiple_of3A_243] : memref<100000xi32, #tpu.memory_space<hbm>> -> memref<400xi32, #tpu.memory_space<hbm>>
    %dma_wait3A_245 = tpu.memref_slice %arg2[%multiple_of3A_243] : memref<100000xi32, #tpu.memory_space<hbm>> -> memref<400xi32, #tpu.memory_space<hbm>>
    tpu.wait_dma2 semaphore(%arg15 : memref<!tpu.dma_semaphore, #tpu.memory_space<semaphore_mem>>) src(%dma_wait3A_245 : memref<400xi32, #tpu.memory_space<hbm>>) dst(%arg10 : memref<400xi32, #tpu.memory_space<vmem>>)
    %add3A_246 = arith.constant 160 : i32
    %add3A_247 = arith.addi %add3A, %add3A_246 : i32
    %scan3A_248 = arith.constant 0 : i32
    %scan3A_249 = arith.constant 0 : i32
    %scan3A_250 = arith.constant 25 : i32
    %scan3A_251 = arith.addi %scan3A_249, %scan3A_250 : i32
    %scan3A_252 = arith.constant 1 : i32
    scf.for %scan3A_347 = %scan3A_249 to %scan3A_251 step %scan3A_252  : i32 {
      %add3A_348 = arith.addi %add3A_247, %scan3A_347 : i32
      %rem3A = arith.constant 4 : i32
      %rem3A_349 = arith.remsi %add3A_348, %rem3A : i32
      %mul3A_350 = arith.constant 16 : i32
      %mul3A_351 = arith.muli %scan3A_347, %mul3A_350 : i32
      %get3A = arith.index_cast %mul3A_351 : i32 to index
      %get3A_352 = tpu.vector_load %arg10[%get3A] {strides = array<i32>} : memref<400xi32, #tpu.memory_space<vmem>>, vector<16xi32>,
      %get3A_353 = vector.shape_cast %get3A_352 : vector<16xi32> to vector<16xi32>
      %mul3A_354 = arith.constant 1520 : i32
      %mul3A_355 = arith.muli %rem3A_349, %mul3A_354 : i32
      %add3A_356 = vector.broadcast %mul3A_355 : i32 to vector<16xi32>
      %add3A_357 = arith.addi %mul3A_3, %add3A_356 : vector<16xi32>
      %add3A_358 = arith.addi %get3A_353, %add3A_357 : vector<16xi32>
      %swap3A = arith.index_cast %mul3A_351 : i32 to index
      %swap3A_359 = tpu.vector_load %arg10[%swap3A] {strides = array<i32>} : memref<400xi32, #tpu.memory_space<vmem>>, vector<16xi32>,
      %swap3A_360 = vector.shape_cast %swap3A_359 : vector<16xi32> to vector<16xi32>
      %swap3A_361 = vector.shape_cast %add3A_358 : vector<16xi32> to vector<16xi32>
      tpu.vector_store %arg10[%swap3A], %swap3A_361 {strides = array<i32>} : memref<400xi32, #tpu.memory_space<vmem>>, vector<16xi32>,
    }
    %scan3A_253 = arith.constant 25 : i32
    %dma_start3A_254 = arith.constant 0 : i32
    %dma_start3A_255 = arith.constant 0 : i32
    %dma_start3A_256 = tpu.memref_slice %arg3[%dma_start3A_254, %dma_start3A_255] : memref<6080x128xf32, #tpu.memory_space<hbm>> -> memref<6080x128xf32, #tpu.memory_space<hbm>>
    tpu.enqueue_indirect_dma source(%dma_start3A_256 : memref<6080x128xf32, #tpu.memory_space<hbm>>) target(%arg14 : memref<400x128xf32, #tpu.memory_space<vmem>>) offsets(%arg10 : memref<400xi32, #tpu.memory_space<vmem>>) semaphore(%arg16 : memref<!tpu.dma_semaphore, #tpu.memory_space<semaphore_mem>>)
    %dma_wait3A_257 = arith.constant 0 : i32
    %dma_wait3A_258 = arith.constant 0 : i32
    %dma_wait3A_259 = tpu.memref_slice %arg3[%dma_wait3A_257, %dma_wait3A_258] : memref<6080x128xf32, #tpu.memory_space<hbm>> -> memref<6080x128xf32, #tpu.memory_space<hbm>>
    tpu.wait_indirect_dma semaphore(%arg16 : memref<!tpu.dma_semaphore, #tpu.memory_space<semaphore_mem>>) src(%dma_wait3A_259 : memref<6080x128xf32, #tpu.memory_space<hbm>>) dst(%arg14 : memref<400x128xf32, #tpu.memory_space<vmem>>)
    %add3A_260 = arith.constant 160 : i32
    %add3A_261 = arith.addi %add3A, %add3A_260 : i32
    %mul3A_262 = arith.constant 400 : i32
    %mul3A_263 = arith.muli %add3A_261, %mul3A_262 : i32
    %multiple_of3A_264 = tpu.assume_multiple %mul3A_263, 8 : i32
    %dma_start3A_265 = arith.constant 0 : i32
    %dma_start3A_266 = tpu.memref_slice %arg4[%multiple_of3A_264, %dma_start3A_265] : memref<100000x128xf32, #tpu.memory_space<hbm>> -> memref<400x128xf32, #tpu.memory_space<hbm>>
    %dma_start3A_267 = arith.constant 0 : i32
    %dma_start3A_268 = tpu.memref_slice %arg4[%multiple_of3A_264, %dma_start3A_267] : memref<100000x128xf32, #tpu.memory_space<hbm>> -> memref<400x128xf32, #tpu.memory_space<hbm>>
    tpu.enqueue_dma source(%arg14 : memref<400x128xf32, #tpu.memory_space<vmem>>) target(%dma_start3A_268 : memref<400x128xf32, #tpu.memory_space<hbm>>) target_semaphore(%arg17 : memref<!tpu.dma_semaphore, #tpu.memory_space<semaphore_mem>>)
    %add3A_269 = arith.constant 128 : i32
    %add3A_270 = arith.addi %add3A, %add3A_269 : i32
    %mul3A_271 = arith.constant 400 : i32
    %mul3A_272 = arith.muli %add3A_270, %mul3A_271 : i32
    %multiple_of3A_273 = tpu.assume_multiple %mul3A_272, 8 : i32
    %dma_wait3A_274 = arith.constant 0 : i32
    %dma_wait3A_275 = tpu.memref_slice %arg4[%multiple_of3A_273, %dma_wait3A_274] : memref<100000x128xf32, #tpu.memory_space<hbm>> -> memref<400x128xf32, #tpu.memory_space<hbm>>
    %dma_wait3A_276 = arith.constant 0 : i32
    %dma_wait3A_277 = tpu.memref_slice %arg4[%multiple_of3A_273, %dma_wait3A_276] : memref<100000x128xf32, #tpu.memory_space<hbm>> -> memref<400x128xf32, #tpu.memory_space<hbm>>
    tpu.wait_dma2 semaphore(%arg17 : memref<!tpu.dma_semaphore, #tpu.memory_space<semaphore_mem>>) src(%arg13 : memref<400x128xf32, #tpu.memory_space<vmem>>) dst(%dma_wait3A_277 : memref<400x128xf32, #tpu.memory_space<hbm>>)
    %add3A_278 = arith.constant 192 : i32
    %add3A_279 = arith.addi %add3A, %add3A_278 : i32
    %mul3A_280 = arith.constant 400 : i32
    %mul3A_281 = arith.muli %add3A_279, %mul3A_280 : i32
    %multiple_of3A_282 = tpu.assume_multiple %mul3A_281, 8 : i32
    %dma_wait3A_283 = tpu.memref_slice %arg2[%multiple_of3A_282] : memref<100000xi32, #tpu.memory_space<hbm>> -> memref<400xi32, #tpu.memory_space<hbm>>
    %dma_wait3A_284 = tpu.memref_slice %arg2[%multiple_of3A_282] : memref<100000xi32, #tpu.memory_space<hbm>> -> memref<400xi32, #tpu.memory_space<hbm>>
    tpu.wait_dma2 semaphore(%arg15 : memref<!tpu.dma_semaphore, #tpu.memory_space<semaphore_mem>>) src(%dma_wait3A_284 : memref<400xi32, #tpu.memory_space<hbm>>) dst(%arg11 : memref<400xi32, #tpu.memory_space<vmem>>)
    %add3A_285 = arith.constant 192 : i32
    %add3A_286 = arith.addi %add3A, %add3A_285 : i32
    %scan3A_287 = arith.constant 0 : i32
    %scan3A_288 = arith.constant 0 : i32
    %scan3A_289 = arith.constant 25 : i32
    %scan3A_290 = arith.addi %scan3A_288, %scan3A_289 : i32
    %scan3A_291 = arith.constant 1 : i32
    scf.for %scan3A_347 = %scan3A_288 to %scan3A_290 step %scan3A_291  : i32 {
      %add3A_348 = arith.addi %add3A_286, %scan3A_347 : i32
      %rem3A = arith.constant 4 : i32
      %rem3A_349 = arith.remsi %add3A_348, %rem3A : i32
      %mul3A_350 = arith.constant 16 : i32
      %mul3A_351 = arith.muli %scan3A_347, %mul3A_350 : i32
      %get3A = arith.index_cast %mul3A_351 : i32 to index
      %get3A_352 = tpu.vector_load %arg11[%get3A] {strides = array<i32>} : memref<400xi32, #tpu.memory_space<vmem>>, vector<16xi32>,
      %get3A_353 = vector.shape_cast %get3A_352 : vector<16xi32> to vector<16xi32>
      %mul3A_354 = arith.constant 1520 : i32
      %mul3A_355 = arith.muli %rem3A_349, %mul3A_354 : i32
      %add3A_356 = vector.broadcast %mul3A_355 : i32 to vector<16xi32>
      %add3A_357 = arith.addi %mul3A_3, %add3A_356 : vector<16xi32>
      %add3A_358 = arith.addi %get3A_353, %add3A_357 : vector<16xi32>
      %swap3A = arith.index_cast %mul3A_351 : i32 to index
      %swap3A_359 = tpu.vector_load %arg11[%swap3A] {strides = array<i32>} : memref<400xi32, #tpu.memory_space<vmem>>, vector<16xi32>,
      %swap3A_360 = vector.shape_cast %swap3A_359 : vector<16xi32> to vector<16xi32>
      %swap3A_361 = vector.shape_cast %add3A_358 : vector<16xi32> to vector<16xi32>
      tpu.vector_store %arg11[%swap3A], %swap3A_361 {strides = array<i32>} : memref<400xi32, #tpu.memory_space<vmem>>, vector<16xi32>,
    }
    %scan3A_292 = arith.constant 25 : i32
    %dma_start3A_293 = arith.constant 0 : i32
    %dma_start3A_294 = arith.constant 0 : i32
    %dma_start3A_295 = tpu.memref_slice %arg3[%dma_start3A_293, %dma_start3A_294] : memref<6080x128xf32, #tpu.memory_space<hbm>> -> memref<6080x128xf32, #tpu.memory_space<hbm>>
    tpu.enqueue_indirect_dma source(%dma_start3A_295 : memref<6080x128xf32, #tpu.memory_space<hbm>>) target(%arg13 : memref<400x128xf32, #tpu.memory_space<vmem>>) offsets(%arg11 : memref<400xi32, #tpu.memory_space<vmem>>) semaphore(%arg16 : memref<!tpu.dma_semaphore, #tpu.memory_space<semaphore_mem>>)
    %dma_wait3A_296 = arith.constant 0 : i32
    %dma_wait3A_297 = arith.constant 0 : i32
    %dma_wait3A_298 = tpu.memref_slice %arg3[%dma_wait3A_296, %dma_wait3A_297] : memref<6080x128xf32, #tpu.memory_space<hbm>> -> memref<6080x128xf32, #tpu.memory_space<hbm>>
    tpu.wait_indirect_dma semaphore(%arg16 : memref<!tpu.dma_semaphore, #tpu.memory_space<semaphore_mem>>) src(%dma_wait3A_298 : memref<6080x128xf32, #tpu.memory_space<hbm>>) dst(%arg13 : memref<400x128xf32, #tpu.memory_space<vmem>>)
    %add3A_299 = arith.constant 192 : i32
    %add3A_300 = arith.addi %add3A, %add3A_299 : i32
    %mul3A_301 = arith.constant 400 : i32
    %mul3A_302 = arith.muli %add3A_300, %mul3A_301 : i32
    %multiple_of3A_303 = tpu.assume_multiple %mul3A_302, 8 : i32
    %dma_start3A_304 = arith.constant 0 : i32
    %dma_start3A_305 = tpu.memref_slice %arg4[%multiple_of3A_303, %dma_start3A_304] : memref<100000x128xf32, #tpu.memory_space<hbm>> -> memref<400x128xf32, #tpu.memory_space<hbm>>
    %dma_start3A_306 = arith.constant 0 : i32
    %dma_start3A_307 = tpu.memref_slice %arg4[%multiple_of3A_303, %dma_start3A_306] : memref<100000x128xf32, #tpu.memory_space<hbm>> -> memref<400x128xf32, #tpu.memory_space<hbm>>
    tpu.enqueue_dma source(%arg13 : memref<400x128xf32, #tpu.memory_space<vmem>>) target(%dma_start3A_307 : memref<400x128xf32, #tpu.memory_space<hbm>>) target_semaphore(%arg17 : memref<!tpu.dma_semaphore, #tpu.memory_space<semaphore_mem>>)
    %add3A_308 = arith.constant 160 : i32
    %add3A_309 = arith.addi %add3A, %add3A_308 : i32
    %mul3A_310 = arith.constant 400 : i32
    %mul3A_311 = arith.muli %add3A_309, %mul3A_310 : i32
    %multiple_of3A_312 = tpu.assume_multiple %mul3A_311, 8 : i32
    %dma_wait3A_313 = arith.constant 0 : i32
    %dma_wait3A_314 = tpu.memref_slice %arg4[%multiple_of3A_312, %dma_wait3A_313] : memref<100000x128xf32, #tpu.memory_space<hbm>> -> memref<400x128xf32, #tpu.memory_space<hbm>>
    %dma_wait3A_315 = arith.constant 0 : i32
    %dma_wait3A_316 = tpu.memref_slice %arg4[%multiple_of3A_312, %dma_wait3A_315] : memref<100000x128xf32, #tpu.memory_space<hbm>> -> memref<400x128xf32, #tpu.memory_space<hbm>>
    tpu.wait_dma2 semaphore(%arg17 : memref<!tpu.dma_semaphore, #tpu.memory_space<semaphore_mem>>) src(%arg14 : memref<400x128xf32, #tpu.memory_space<vmem>>) dst(%dma_wait3A_316 : memref<400x128xf32, #tpu.memory_space<hbm>>)
    %add3A_317 = arith.constant 224 : i32
    %add3A_318 = arith.addi %add3A, %add3A_317 : i32
    %lt3A_319 = arith.constant 250 : i32
    %lt3A_320 = arith.cmpi slt, %add3A_318, %lt3A_319 : i32
    %convert_element_type3A_321 = arith.extui %lt3A_320 : i1 to i32
    %cond3A_322 = arith.constant 0 : i32
    %cond3A_323 = arith.cmpi ne, %convert_element_type3A_321, %cond3A_322 : i32
    scf.if %cond3A_323 {
      %add3A_347 = arith.constant 224 : i32
      %add3A_348 = arith.addi %add3A, %add3A_347 : i32
      %mul3A_349 = arith.constant 400 : i32
      %mul3A_350 = arith.muli %add3A_348, %mul3A_349 : i32
      %multiple_of3A_351 = tpu.assume_multiple %mul3A_350, 8 : i32
      %dma_wait3A_352 = tpu.memref_slice %arg2[%multiple_of3A_351] : memref<100000xi32, #tpu.memory_space<hbm>> -> memref<400xi32, #tpu.memory_space<hbm>>
      %dma_wait3A_353 = tpu.memref_slice %arg2[%multiple_of3A_351] : memref<100000xi32, #tpu.memory_space<hbm>> -> memref<400xi32, #tpu.memory_space<hbm>>
      tpu.wait_dma2 semaphore(%arg15 : memref<!tpu.dma_semaphore, #tpu.memory_space<semaphore_mem>>) src(%dma_wait3A_353 : memref<400xi32, #tpu.memory_space<hbm>>) dst(%arg12 : memref<400xi32, #tpu.memory_space<vmem>>)
      %add3A_354 = arith.constant 224 : i32
      %add3A_355 = arith.addi %add3A, %add3A_354 : i32
      %scan3A_356 = arith.constant 0 : i32
      %scan3A_357 = arith.constant 0 : i32
      %scan3A_358 = arith.constant 25 : i32
      %scan3A_359 = arith.addi %scan3A_357, %scan3A_358 : i32
      %scan3A_360 = arith.constant 1 : i32
      scf.for %scan3A_365 = %scan3A_357 to %scan3A_359 step %scan3A_360  : i32 {
        %add3A_366 = arith.addi %add3A_355, %scan3A_365 : i32
        %rem3A = arith.constant 4 : i32
        %rem3A_367 = arith.remsi %add3A_366, %rem3A : i32
        %mul3A_368 = arith.constant 16 : i32
        %mul3A_369 = arith.muli %scan3A_365, %mul3A_368 : i32
        %get3A = arith.index_cast %mul3A_369 : i32 to index
        %get3A_370 = tpu.vector_load %arg12[%get3A] {strides = array<i32>} : memref<400xi32, #tpu.memory_space<vmem>>, vector<16xi32>,
        %get3A_371 = vector.shape_cast %get3A_370 : vector<16xi32> to vector<16xi32>
        %mul3A_372 = arith.constant 1520 : i32
        %mul3A_373 = arith.muli %rem3A_367, %mul3A_372 : i32
        %add3A_374 = vector.broadcast %mul3A_373 : i32 to vector<16xi32>
        %add3A_375 = arith.addi %mul3A_3, %add3A_374 : vector<16xi32>
        %add3A_376 = arith.addi %get3A_371, %add3A_375 : vector<16xi32>
        %swap3A = arith.index_cast %mul3A_369 : i32 to index
        %swap3A_377 = tpu.vector_load %arg12[%swap3A] {strides = array<i32>} : memref<400xi32, #tpu.memory_space<vmem>>, vector<16xi32>,
        %swap3A_378 = vector.shape_cast %swap3A_377 : vector<16xi32> to vector<16xi32>
        %swap3A_379 = vector.shape_cast %add3A_376 : vector<16xi32> to vector<16xi32>
        tpu.vector_store %arg12[%swap3A], %swap3A_379 {strides = array<i32>} : memref<400xi32, #tpu.memory_space<vmem>>, vector<16xi32>,
      }
      %scan3A_361 = arith.constant 25 : i32
      %dma_start3A_362 = arith.constant 0 : i32
      %dma_start3A_363 = arith.constant 0 : i32
      %dma_start3A_364 = tpu.memref_slice %arg3[%dma_start3A_362, %dma_start3A_363] : memref<6080x128xf32, #tpu.memory_space<hbm>> -> memref<6080x128xf32, #tpu.memory_space<hbm>>
      tpu.enqueue_indirect_dma source(%dma_start3A_364 : memref<6080x128xf32, #tpu.memory_space<hbm>>) target(%arg14 : memref<400x128xf32, #tpu.memory_space<vmem>>) offsets(%arg12 : memref<400xi32, #tpu.memory_space<vmem>>) semaphore(%arg16 : memref<!tpu.dma_semaphore, #tpu.memory_space<semaphore_mem>>)
    } else {
    }
    %add3A_324 = arith.constant 224 : i32
    %add3A_325 = arith.addi %add3A, %add3A_324 : i32
    %lt3A_326 = arith.constant 250 : i32
    %lt3A_327 = arith.cmpi slt, %add3A_325, %lt3A_326 : i32
    %convert_element_type3A_328 = arith.extui %lt3A_327 : i1 to i32
    %cond3A_329 = arith.constant 0 : i32
    %cond3A_330 = arith.cmpi ne, %convert_element_type3A_328, %cond3A_329 : i32
    scf.if %cond3A_330 {
      %dma_wait3A_347 = arith.constant 0 : i32
      %dma_wait3A_348 = arith.constant 0 : i32
      %dma_wait3A_349 = tpu.memref_slice %arg3[%dma_wait3A_347, %dma_wait3A_348] : memref<6080x128xf32, #tpu.memory_space<hbm>> -> memref<6080x128xf32, #tpu.memory_space<hbm>>
      tpu.wait_indirect_dma semaphore(%arg16 : memref<!tpu.dma_semaphore, #tpu.memory_space<semaphore_mem>>) src(%dma_wait3A_349 : memref<6080x128xf32, #tpu.memory_space<hbm>>) dst(%arg14 : memref<400x128xf32, #tpu.memory_space<vmem>>)
      %add3A_350 = arith.constant 224 : i32
      %add3A_351 = arith.addi %add3A, %add3A_350 : i32
      %mul3A_352 = arith.constant 400 : i32
      %mul3A_353 = arith.muli %add3A_351, %mul3A_352 : i32
      %multiple_of3A_354 = tpu.assume_multiple %mul3A_353, 8 : i32
      %dma_start3A_355 = arith.constant 0 : i32
      %dma_start3A_356 = tpu.memref_slice %arg4[%multiple_of3A_354, %dma_start3A_355] : memref<100000x128xf32, #tpu.memory_space<hbm>> -> memref<400x128xf32, #tpu.memory_space<hbm>>
      %dma_start3A_357 = arith.constant 0 : i32
      %dma_start3A_358 = tpu.memref_slice %arg4[%multiple_of3A_354, %dma_start3A_357] : memref<100000x128xf32, #tpu.memory_space<hbm>> -> memref<400x128xf32, #tpu.memory_space<hbm>>
      tpu.enqueue_dma source(%arg14 : memref<400x128xf32, #tpu.memory_space<vmem>>) target(%dma_start3A_358 : memref<400x128xf32, #tpu.memory_space<hbm>>) target_semaphore(%arg17 : memref<!tpu.dma_semaphore, #tpu.memory_space<semaphore_mem>>)
    } else {
    }
    %add3A_331 = arith.constant 192 : i32
    %add3A_332 = arith.addi %add3A, %add3A_331 : i32
    %mul3A_333 = arith.constant 400 : i32
    %mul3A_334 = arith.muli %add3A_332, %mul3A_333 : i32
    %multiple_of3A_335 = tpu.assume_multiple %mul3A_334, 8 : i32
    %dma_wait3A_336 = arith.constant 0 : i32
    %dma_wait3A_337 = tpu.memref_slice %arg4[%multiple_of3A_335, %dma_wait3A_336] : memref<100000x128xf32, #tpu.memory_space<hbm>> -> memref<400x128xf32, #tpu.memory_space<hbm>>
    %dma_wait3A_338 = arith.constant 0 : i32
    %dma_wait3A_339 = tpu.memref_slice %arg4[%multiple_of3A_335, %dma_wait3A_338] : memref<100000x128xf32, #tpu.memory_space<hbm>> -> memref<400x128xf32, #tpu.memory_space<hbm>>
    tpu.wait_dma2 semaphore(%arg17 : memref<!tpu.dma_semaphore, #tpu.memory_space<semaphore_mem>>) src(%arg13 : memref<400x128xf32, #tpu.memory_space<vmem>>) dst(%dma_wait3A_339 : memref<400x128xf32, #tpu.memory_space<hbm>>)
    %add3A_340 = arith.constant 224 : i32
    %add3A_341 = arith.addi %add3A, %add3A_340 : i32
    %lt3A_342 = arith.constant 250 : i32
    %lt3A_343 = arith.cmpi slt, %add3A_341, %lt3A_342 : i32
    %convert_element_type3A_344 = arith.extui %lt3A_343 : i1 to i32
    %cond3A_345 = arith.constant 0 : i32
    %cond3A_346 = arith.cmpi ne, %convert_element_type3A_344, %cond3A_345 : i32
    scf.if %cond3A_346 {
      %add3A_347 = arith.constant 224 : i32
      %add3A_348 = arith.addi %add3A, %add3A_347 : i32
      %mul3A_349 = arith.constant 400 : i32
      %mul3A_350 = arith.muli %add3A_348, %mul3A_349 : i32
      %multiple_of3A_351 = tpu.assume_multiple %mul3A_350, 8 : i32
      %dma_wait3A_352 = arith.constant 0 : i32
      %dma_wait3A_353 = tpu.memref_slice %arg4[%multiple_of3A_351, %dma_wait3A_352] : memref<100000x128xf32, #tpu.memory_space<hbm>> -> memref<400x128xf32, #tpu.memory_space<hbm>>
      %dma_wait3A_354 = arith.constant 0 : i32
      %dma_wait3A_355 = tpu.memref_slice %arg4[%multiple_of3A_351, %dma_wait3A_354] : memref<100000x128xf32, #tpu.memory_space<hbm>> -> memref<400x128xf32, #tpu.memory_space<hbm>>
      tpu.wait_dma2 semaphore(%arg17 : memref<!tpu.dma_semaphore, #tpu.memory_space<semaphore_mem>>) src(%arg14 : memref<400x128xf32, #tpu.memory_space<vmem>>) dst(%dma_wait3A_355 : memref<400x128xf32, #tpu.memory_space<hbm>>)
    } else {
    }
    return
  }
}

</mosaic_0001>

<sc_bundles>
// kernel: kernel.3.cloned.1.call-start
scs
__scs_entry_jumppad:
0x0: {  	(pc) =	sbr.rel $0x88, $3  }
0x1: {  	(tag) =	ssettag $0x0;
	lr =	simm.s32 $0x1  }
0x2: {  	[smem:$0x3F9F] =	sst lr;
	_ =	strace $0xD0000000  }
0x3: {  	_ = 	snop  }
0x4: {  	_ = 	snop  }
0x5: {  	_ = 	snop  }
0x6: {  	_ = 	snop  }
0x7: {  	_ = 	snop  }
__scs_overlays_trampoline_lowered:
0x8: {  	[smem:$0x3FAE] =	sst s0  }
0x9: {  	[smem:$0x3FAF] =	sst s1  }
0xa: {  	[smem:$0x3FB0] =	sst s2  }
0xb: {  	[smem:$0x3FB1] =	sst s3  }
0xc: {  	[smem:$0x3FB2] =	sst s4  }
0xd: {  	[smem:$0x3FB3] =	sst s5  }
0xe: {  	[smem:$0x3FB4] =	sst s6  }
0xf: {  	[smem:$0x3FB5] =	sst s7  }
0x10: {  	[smem:$0x3FB6] =	sst s8  }
0x11: {  	[smem:$0x3FB7] =	sst s9;
	s0 =	simm.s32 @!p0 $0x0  }
0x12: {  	s1 =	sld [smem:$0x3F9D];
	s0 =	simm.s32 @p0 $0x1  }
0x13: {  	[smem:$0x3FB8] =	sst s0;
	s0 =	simm.s32 @!p1 $0x0  }
0x14: {  	s2 =	sld [smem:$0x3F9C];
	s0 =	simm.s32 @p1 $0x1  }
0x15: {  	[smem:$0x3FB9] =	sst s0;
	s0 =	simm.s32 @!p2 $0x0  }
0x16: {  	s3 =	sld [smem:$0x3FDB];
	s0 =	simm.s32 @p2 $0x1  }
0x17: {  	s4 =	simm.s32 $0x1BF5;
	[smem:$0x3FBB] =	sst s0  }
0x18: {  	s0 =	sld [smem:$0x3F9E];
	_ =	swait.ge [sflag:s4], $0x0  }
0x19: {  	s7 =	sld [smem:$0x3F9F]  }
0x1a: {  	s8 =	sadd.s32 $0xFFFFE003, lr  }
0x1b: {  	s9 =	sadd.s32 $0xFFFFFEF7, lr;
	s5 =	simm.s32 $0xFFFFFFFF;
	p2 =	slt.u32 s8, $0xFFFFF086  }
0x1c: {  	p1 =	slt.u32 s9, $0xF7A;
	s5 =	simm.s32 @!p2 $0x0  }
0x1d: {  	s5 =	simm.s32 @p1 $0x1;
	p0 =	seq.s32 s7, s2  }
0x1e: {  	s7 =	smul.u32 @!p0 $0xF7A, s2;
	p2 =	seq.s32 @!p0 s5, $0x0  }
0x1f: {  	s9 =	smul.u32 $0xF7A, s1;
	s8 =	simm.s32 @!p0 $0x1BF5;
	p2 =	por !p2, p0  }
0x20: {  	[sflag:s8] =	ssyncset.s32 @!p0 $0xFFFFF086;
	s6 =	sadd.s32 @!p0 s3, s7;
	s7 =	simm.s32 @!p0 $0x108  }
0x21: {  	s3 =	sadd.s32 s3, s9;
	s6 =	sadd.s32 @!p0 $0x88, s6;
	s7 =	simm.s32 @p2 $0x1082  }
0x22: {  	[simem:s7], [sflag:s8] =	dma.local @!p0 [hbm:s6], $0xF7A  }
0x23: {  	s9 =	sor.u32 $0xD0000000, s2;
	s6 =	simm.s32 $0x108;
	_ =	swait.ge @!p0 [sflag:s8], $0x0  }
0x24: {  	s3 =	sadd.s32 $0x88, s3;
	s6 =	simm.s32 @!p1 $0x1082;
	[sflag:s4] =	ssyncset.s32 $0xFFFFF086  }
0x25: {  	[simem:s6], [sflag:s4] =	dma.local [hbm:s3], $0xF7A  }
0x26: {  	[smem:$0x3F9F] =	sst s1;
	(tag) =	ssettag s2;
	_ =	strace s9  }
0x27: {  	s1 =	sld [smem:$0x3FAF]  }
0x28: {  	s2 =	sld [smem:$0x3FB0]  }
0x29: {  	s4 =	sld [smem:$0x3FB2]  }
0x2a: {  	p0 =	seq.s32 s5, $0x0;
	s5 =	sld [smem:$0x3FB3]  }
0x2b: {  	s6 =	sld [smem:$0x3FB4]  }
0x2c: {  	s7 =	sld [smem:$0x3FB5]  }
0x2d: {  	s3 =	simm.s32 $0x108;
	s8 =	sld [smem:$0x3FB6]  }
0x2e: {  	s3 =	simm.s32 @!p0 $0x1082;
	s9 =	sld [smem:$0x3FB7]  }
0x2f: {  	lr =	sadd.s32 s0, s3;
	s0 =	sld [smem:$0x3FAE]  }
0x30: {  	s3 =	sld [smem:$0x3FB1]  }
0x31: {  	[smem:$0x3FBA] =	sst s10  }
0x32: {  	s10 =	sld [smem:$0x3FB8];
	_ =	sdelay $0x3  }
0x33: {  	p0 =	seq.s32 s10, $0x1;
	s10 =	sld [smem:$0x3FBA];
	_ =	sdelay $0x3  }
0x34: {  	[smem:$0x3FBA] =	sst s10  }
0x35: {  	s10 =	sld [smem:$0x3FB9];
	_ =	sdelay $0x3  }
0x36: {  	p1 =	seq.s32 s10, $0x1;
	s10 =	sld [smem:$0x3FBA];
	_ =	sdelay $0x3  }
0x37: {  	[smem:$0x3FBA] =	sst s10  }
0x38: {  	s10 =	sld [smem:$0x3FBB]  }
0x39: {  	_ = 	snop;
	(pc) =	sbr.ind lr, $3  }
0x3a: {  	_ = 	snop  }
0x3b: {  	_ = 	snop  }
0x3c: {  	p2 =	seq.s32 s10, $0x1;
	s10 =	sld [smem:$0x3FBA]  }
0x3d: {  	_ =	shalt  }
0x3e: {  	_ =	shalt  }
0x3f: {  	_ =	shalt  }
0x40: {  	_ =	shalt  }
0x41: {  	_ =	shalt  }
0x42: {  	_ =	shalt  }
0x43: {  	_ =	shalt  }
0x44: {  	_ =	shalt  }
0x45: {  	_ =	shalt  }
0x46: {  	_ =	shalt  }
0x47: {  	_ =	shalt  }
0x48: {  	_ =	shalt  }
0x49: {  	_ =	shalt  }
0x4a: {  	_ =	shalt  }
0x4b: {  	_ =	shalt  }
0x4c: {  	_ =	shalt  }
0x4d: {  	_ =	shalt  }
0x4e: {  	_ =	shalt  }
0x4f: {  	_ =	shalt  }
0x50: {  	_ =	shalt  }
0x51: {  	_ =	shalt  }
0x52: {  	_ =	shalt  }
0x53: {  	_ =	shalt  }
0x54: {  	_ =	shalt  }
0x55: {  	_ =	shalt  }
0x56: {  	_ =	shalt  }
0x57: {  	_ =	shalt  }
0x58: {  	_ =	shalt  }
0x59: {  	_ =	shalt  }
0x5a: {  	_ =	shalt  }
0x5b: {  	_ =	shalt  }
0x5c: {  	_ =	shalt  }
0x5d: {  	_ =	shalt  }
0x5e: {  	_ =	shalt  }
0x5f: {  	_ =	shalt  }
0x60: {  	_ =	shalt  }
0x61: {  	_ =	shalt  }
0x62: {  	_ =	shalt  }
0x63: {  	_ =	shalt  }
0x64: {  	_ =	shalt  }
0x65: {  	_ =	shalt  }
0x66: {  	_ =	shalt  }
0x67: {  	_ =	shalt  }
0x68: {  	_ =	shalt  }
0x69: {  	_ =	shalt  }
0x6a: {  	_ =	shalt  }
0x6b: {  	_ =	shalt  }
0x6c: {  	_ =	shalt  }
0x6d: {  	_ =	shalt  }
0x6e: {  	_ =	shalt  }
0x6f: {  	_ =	shalt  }
0x70: {  	_ =	shalt  }
0x71: {  	_ =	shalt  }
0x72: {  	_ =	shalt  }
0x73: {  	_ =	shalt  }
0x74: {  	_ =	shalt  }
0x75: {  	_ =	shalt  }
0x76: {  	_ =	shalt  }
0x77: {  	_ =	shalt  }
0x78: {  	_ =	shalt  }
0x79: {  	_ =	shalt  }
0x7a: {  	_ =	shalt  }
0x7b: {  	_ =	shalt  }
0x7c: {  	_ =	shalt  }
0x7d: {  	_ =	shalt  }
0x7e: {  	_ =	shalt  }
0x7f: {  	_ =	shalt  }
0x80: {  	_ =	shalt  }
0x81: {  	_ =	shalt  }
0x82: {  	_ =	shalt  }
0x83: {  	_ =	shalt  }
0x84: {  	_ =	shalt  }
0x85: {  	_ =	shalt  }
0x86: {  	_ =	shalt  }
0x87: {  	_ =	shalt  }
.Lfunc_end0:
.L_simem_size_0:
called_computation_lowered:
.L_overlay_start_0:
0x88: {  	s2 =	sld [smem:$0x3FD9]  }
0x89: {  	s3 =	sld [smem:$0x3FFE];
	_ =	sdelay $0x1  }
0x8a: {  	s1 =	srdreg.scid  }
0x8b: {  	s0 =	sand.u32 $0x1, s1  }
0x8c: {  	s17 =	sshll.u32 s0, $0xA;
	s2 =	sadd.s32 s3, s2  }
0x8d: {  	s2 =	sadd.s32 s2, s17  }
0x8e: {  	[smem:$0x3FC6] =	sst s2  }
0x8f: {  	_ = 	snop  }
0x90: {  	s2 =	sld [smem:$0x3FC9]  }
0x91: {  	s18 =	sld [smem:$0x3FD0];
	(tm) =	ssettm $0x1  }
0x92: {  	s4 =	sld [smem:$0x3FFB];
	_ =	sdelay $0x3  }
0x93: {  	_ =	strace s4  }
0x94: {  	s4 =	sld [smem:$0x3FFC];
	_ =	sdelay $0x3  }
0x95: {  	_ =	strace s4  }
0x96: {  	s4 =	sld [smem:$0x3FFD];
	_ =	sdelay $0x3  }
0x97: {  	_ =	strace s4  }
0x98: {  	_ =	strace $0x8FFFFFFF  }
0x99: {  	s19 =	sld [smem:$0x3FDB];
	_ =	sdelay $0x1  }
0x9a: {  	s5 =	simm.s32 $_scs_section_size  }
0x9b: {  	s6 =	simm.s32 $_size__tile_overlayer_lowered;
	s7 =	simm.s32 $_tile_overlayer_lowered  }
0x9c: {  	s22 =	simm.s32 $0x1BFF;
	s21 =	sshll.u32 s7, $0x1;
	s4 =	sadd.s32 s5, s19  }
0x9d: {  	s8 =	simm.s32 $0x0;
	s20 =	sshll.u32 s6, $0x1;
	s6 =	sadd.s32 s21, s4  }
0x9e: {  	[timem:s8], [sflag:s22] =	dma.local [hbm:s6], s20  }
0x9f: {  	_ =	swait.ge [sflag:s22], s20  }
0xa0: {  	s5 =	ssub.s32 $0x0, s20;
	[sflag:s22] =	ssyncset.done $0x0  }
0xa1: {  	[sflag:s22] =	ssyncadd.s32 s5;
	_ =	sdelay $0x1  }
0xa2: {  	s23 =	simm.s32 $0x1B8B  }
0xa3: {  	_ =	swait.ge [sflag:s23], $0x1  }
0xa4: {  	[sflag:s23] =	ssyncset.done $0x0  }
0xa5: {  	s25 =	simm.s32 $0x1B8E;
	s24 =	sld [smem:$0x3FFE];
	[sflag:s23] =	ssyncadd.s32 $0xFFFFFFFF  }
0xa6: {  	s26 =	simm.s32 $execute0_lowered;
	[smem:$0x3FD2] =	sst s25  }
0xa7: {  	s6 =	sshll.u32 s26, $0x1;
	_ =	strace $0x80000046;
	[dreg:$0x1] =	wrdreg $0xFFFFFFFF  }
0xa8: {  	s28 =	simm.s32 $_size_execute0_lowered;
	s4 =	sadd.s32 s4, s6;
	[dreg:$0x0] =	wrdreg $0x0  }
0xa9: {  	s6 =	sshll.u32 s28, $0x1;
	[dreg:$0x2] =	wrdreg s4  }
0xaa: {  	[dreg:$0x3] =	wrdreg s6  }
0xab: {  	[dreg:$0x4] =	wrdreg $0xC0  }
0xac: {  	_ =	task [dreg:s8], $0x5FFFF  }
0xad: {  	[dreg:$0x1] =	wrdreg $0xFFFFFFFF  }
0xae: {  	[dreg:$0x0] =	wrdreg $0x60  }
0xaf: {  	[dreg:$0x2] =	wrdreg s2  }
0xb0: {  	[dreg:$0x3] =	wrdreg s24  }
0xb1: {  	[dreg:$0x4] =	wrdreg s18  }
0xb2: {  	[dreg:$0x5] =	wrdreg $0x9  }
0xb3: {  	_ =	task.clear_ibuf [dreg:s8], $0x6FFFF;
	_ =	strace $0x90000046  }
0xb4: {  	s29 =	simm.s32 $0x9;
	_ =	strace $0x80000048  }
0xb5: {  	_ =	swait.ge [sflag:s29], $0x1  }
0xb6: {  	[sflag:s29] =	ssyncadd.s32 $0xFFFFFFFF  }
0xb7: {  	_ =	strace $0x90000048  }
0xb8: {  	_ =	sfence  }
0xb9: {  	s30 =	sld [smem:$0x0];
	_ =	sdelay $0x2  }
0xba: {  	s31 =	sshll.u32 s1, $0xD;
	s1 =	sshrl.u32 s1, $0x2  }
0xbb: {  	s3 =	sand.u32 $0x4000, s31;
	s1 =	sadd.s32 s1, s30  }
0xbc: {  	s0 =	sor.u32 s3, s0;
	s1 =	sshll.u32 s1, $0x11  }
0xbd: {  	s0 =	sor.u32 s1, s0  }
0xbe: {  	s0 =	sadd.s32 $0x8F2B, s0  }
0xbf: {  	[sflag:s0] =	ssyncadd.remote.s32 $0x1  }
0xc0: {  	_ =	sfence.sel $0xFFFF  }
0xc1: {  	[dreg:$0x0] =	wrdreg $0xFFFFFFFF;
	(pc) =	sbr.abs _section_cstart, $3  }
0xc2: {  	[dreg:$0x1] =	wrdreg $0xFFFFFFFF  }
0xc3: {  	_ =	task.clear_ibuf [dreg:s8], $0x2FFFF;
	_ =	strace $0x9FFFFFFF  }
0xc4: {  	(tm) =	ssettm $0x7FFFFFFF  }
0xc5: {  	_ =	shalt  }
tec
execute0_lowered:
.L_overlay_start_1:
0x0: {  	(tag) =	ssettag $0x1  }
0x1: {  	s0 =	srdreg.scid  }
0x2: {  	s23 =	stileid.u32;
	s7 =	rddreg [dreg:$0x0]  }
0x3: {  	s4 =	rddreg [dreg:$0x1];
	s0 =	sand.u32 $0x1, s0;
	s1 =	sshll.u32 s23, $0x1  }
0x4: {  	s20 =	rddreg [dreg:$0x2];
	s8 =	sor.u32 s0, s1  }
0x5: {  	s3 =	simm.s32 $0x0;
	s28 =	simm.s32 $0xC00;
	s1 =	smul.u32 $0x32, s8  }
0x6: {  	s29 =	simm.s32 $0x1;
	s2 =	sor.u32 $0x20, s8;
	s21 =	smul.u32 $0x1900, s8  }
0x7: {  	s30 =	simm.s32 $0x190;
	s6 =	sor.u32 $0x40, s8;
	s5 =	smul.u32 $0x32, s2  }
0x8: {  	s31 =	simm.s32 $0x1000;
	s10 =	sor.u32 $0x60, s8;
	s9 =	smul.u32 $0x32, s6  }
0x9: {  	[smem:$0x7FF] =	sst s3;
	s12 =	sor.u32 $0x80, s8;
	s11 =	smul.u32 $0x32, s10  }
0xa: {  	s4 =	sadd.s32 $0x400, s4;
	s14 =	sor.u32 $0xA0, s8;
	s13 =	smul.u32 $0x32, s12  }
0xb: {  	p0 =	sgt.u32 s23, $0xC;
	s16 =	sor.u32 $0xC0, s8;
	s15 =	smul.u32 $0x32, s14  }
0xc: {  	s23 =	simm.s32 $0x400;
	s18 =	sor.u32 $0xE0, s8;
	s17 =	smul.u32 $0x32, s16  }
0xd: {  	_ =	strace $0x80000047;
	s0 =	ssub.s32 $0x2, s0;
	s19 =	smul.u32 $0x32, s18  }
0xe: {  	s22 =	sshrl.u32 s0, $0x1;
	s2 =	smul.u32 $0x1900, s2;
	s1 =	sadd.s32 s7, s1  }
0xf: {  	s0 =	ssub.s32 s0, s22;
	s24 =	smul.u32 $0x1900, s14;
	[dreg:$0x4] =	wrdreg s1  }
0x10: {  	s1 =	smul.u32 $0x1900, s6;
	s5 =	sadd.s32 s7, s5;
	s25 =	sadd.s32 s7, s9  }
0x11: {  	s26 =	sadd.s32 s7, s11;
	s9 =	sadd.s32 s7, s13;
	s22 =	sadd.s32 s7, s15  }
0x12: {  	s11 =	sadd.s32 s7, s17;
	s13 =	sadd.s32 s20, s21;
	[dreg:$0x5] =	wrdreg s5  }
0x13: {  	s14 =	sadd.s32 s20, s2;
	[dreg:$0x6] =	wrdreg s25;
	s5 =	smul.u32 $0x1900, s10  }
0x14: {  	s21 =	smax.u32 s0, $0x1;
	[dreg:$0x7] =	wrdreg s26;
	s10 =	smul.u32 $0x1900, s12  }
0x15: {  	s2 =	simm.s32 $0x2;
	[dreg:$0x8] =	wrdreg s9;
	s25 =	smul.u32 $0x1900, s16  }
0x16: {  	s0 =	simm.s32 $0xD800;
	[dreg:$0x9] =	wrdreg s22;
	s26 =	smul.u32 $0x1900, s18  }
.Ltmp0:
0x17: {  	s12 =	sadd.s32 s7, s19;
	s18 =	sadd.s32 s20, s24;
	(pc) =	sbr.rel .LBB2_1-.Ltmp0, $4  }
0x18: {  	s22 =	simm.s32 $0x200;
	s24 =	simm.s32 $0x600;
	s15 =	sadd.s32 s20, s1  }
0x19: {  	s16 =	sadd.s32 s20, s5;
	s17 =	sadd.s32 s20, s10;
	s19 =	sadd.s32 s20, s25  }
0x1a: {  	v0 =	vlaneseq.u32;
	s1 =	sadd.s32 s20, s26;
	s25 =	simm.s32 $0x800;
	s26 =	simm.s32 $0xA00  }
0x1b: {  	v0 =	vmul.u32 $0x5F, v0;
	s20 =	simm.s32 $0x3;
	s5 =	simm.s32 $0x0;
	[dreg:$0xa] =	wrdreg s1  }
.LBB2_18:
0x1c: {  	v1 =	vld [tilespmem:s6+$0xE00]  }
0x1d: {  	s1 =	sadd.s32 $0x1, s1  }
0x1e: {  	s1 =	sand.u32 $0x3, s1  }
0x1f: {  	s1 =	smul.u32 $0x5F0, s1;
	_ =	sdelay $0x1  }
0x20: {  	v1 =	vadd.s32 s1, v1  }
0x21: {  	v1 =	vadd.s32 v0, v1  }
0x22: {  	s9 =	simm.s32 $0xE00;
	[tilespmem:s6+$0xE00] =	vst v1  }
0x23: {  	[tilespmem:s0], [sflag:$0x2] =	stream.indirect.gather [hbm4b:s4+s30], $0x80, s9, s30, $0xb8;
	[tilespmem:$0x1A000] =	vst v63  }
0x24: {  	_ =	swait.ge [sflag:s2], $0xC800  }
0x25: {  	[sflag:s2] =	ssyncset.done $0x0  }
0x26: {  	s10 =	rddreg [dreg:$0xa];
	[sflag:s2] =	ssyncadd.s32 $0xFFFF3800  }
0x27: {  	[hbm4b:s10+s3] =	stream.linear.scatter [tilespmem:s0], [sflag:$0x3], $0xC800, $0x38;
	[tilespmem:$0x1A000] =	vst v63  }
0x28: {  	_ =	swait.ge [sflag:s20], $0xC800  }
0x29: {  	[sflag:s20] =	ssyncset.done $0x0  }
0x2a: {  	[sflag:s20] =	ssyncadd.s32 $0xFFFF3800  }
.LBB2_19:
0x2b: {  	s5 =	sadd.s32 $0x1, s5  }
0x2c: {  	p1 =	sne.s32 s5, s21  }
.Ltmp1:
0x2d: {  	_ = 	snop;
	(pc) =	sbr.rel @!p1 .LBB2_20-.Ltmp1, $4  }
0x2e: {  	_ = 	snop  }
0x2f: {  	_ =	swait.ge [sflag:s20], $0xC800  }
0x30: {  	[sflag:s20] =	ssyncset.done $0x0  }
0x31: {  	[sflag:s20] =	ssyncadd.s32 $0xFFFF3800  }
.LBB2_1:
0x32: {  	s1 =	rddreg [dreg:$0x4]  }
0x33: {  	[tilespmem:s3], [sflag:$0x1] =	stream.linear.gather [hbm4b:s1+s3], $0x190, $0x38;
	[tilespmem:$0x1A000] =	vst v63  }
0x34: {  	s9 =	rddreg [dreg:$0x5]  }
0x35: {  	[tilespmem:s22], [sflag:$0x1] =	stream.linear.gather [hbm4b:s9+s3], $0x190, $0x38;
	[tilespmem:$0x1A000] =	vst v63  }
0x36: {  	s10 =	rddreg [dreg:$0x6]  }
0x37: {  	[tilespmem:s23], [sflag:$0x1] =	stream.linear.gather [hbm4b:s10+s3], $0x190, $0x38;
	[tilespmem:$0x1A000] =	vst v63  }
0x38: {  	s6 =	rddreg [dreg:$0x7]  }
0x39: {  	[tilespmem:s24], [sflag:$0x1] =	stream.linear.gather [hbm4b:s6+s3], $0x190, $0x38;
	[tilespmem:$0x1A000] =	vst v63  }
0x3a: {  	s7 =	rddreg [dreg:$0x8]  }
0x3b: {  	[tilespmem:s25], [sflag:$0x1] =	stream.linear.gather [hbm4b:s7+s3], $0x190, $0x38;
	[tilespmem:$0x1A000] =	vst v63  }
0x3c: {  	s9 =	rddreg [dreg:$0x9]  }
0x3d: {  	[tilespmem:s26], [sflag:$0x1] =	stream.linear.gather [hbm4b:s9+s3], $0x190, $0x38;
	[tilespmem:$0x1A000] =	vst v63  }
0x3e: {  	_ = 	snop  }
0x3f: {  	[tilespmem:s28], [sflag:$0x1] =	stream.linear.gather [hbm4b:s11+s3], $0x190, $0x38;
	[tilespmem:$0x1A000] =	vst v63  }
0x40: {  	s1 =	simm.s32 @!p0 $0x0;
	s6 =	simm.s32 @!p0 $0xE00  }
0x41: {  	[tilespmem:s6], [sflag:$0x1] =	stream.linear.gather @!p0 [hbm4b:s12+s1], $0x190, $0x38;
	[tilespmem:$0x1A000] =	vst v63  }
0x42: {  	_ =	swait.ge [sflag:s29], $0x190  }
0x43: {  	[sflag:s29] =	ssyncset.done $0x0  }
0x44: {  	s1 =	simm.s32 $0x0;
	[sflag:s29] =	ssyncadd.s32 $0xFFFFFE70  }
0x45: {  	v1 =	vld [tilespmem:s1+$0x0];
	_ =	sdelay $0x1  }
0x46: {  	s10 =	sand.u32 $0x3, s8  }
0x47: {  	s6 =	smul.u32 $0x5F0, s10;
	_ =	sdelay $0x1  }
0x48: {  	v1 =	vadd.s32 s6, v1  }
0x49: {  	v1 =	vadd.s32 v0, v1  }
0x4a: {  	s7 =	simm.s32 $0x10;
	s9 =	simm.s32 $0x80;
	[tilespmem:s1+$0x0] =	vst v1;
	s1 =	smov.u32 s8  }
.LBB2_2:
0x4b: {  	p1 =	sne.s32 s9, $0x600;
	v1 =	vld [tilespmem:s7+$0x0];
	s1 =	sadd.s32 $0x1, s1  }
0x4c: {  	s10 =	sand.u32 $0x3, s1  }
0x4d: {  	s10 =	smul.u32 $0x5F0, s10  }
.Ltmp2:
0x4e: {  	(pc) =	sbr.rel @p1 .LBB2_2-.Ltmp2, $4  }
0x4f: {  	_ = 	snop  }
0x50: {  	v1 =	vadd.s32 s10, v1  }
0x51: {  	v1 =	vadd.s32 v0, v1  }
0x52: {  	[tilespmem:s7+$0x0] =	vst v1;
	s7 =	sshra.s32 s9, $0x2;
	s9 =	sadd.s32 $0x40, s9  }
0x53: {  	v1 =	vld [tilespmem:s7+$0x0]  }
0x54: {  	s1 =	sadd.s32 $0x1, s1  }
0x55: {  	s1 =	sand.u32 $0x3, s1  }
0x56: {  	s1 =	smul.u32 $0x5F0, s1;
	_ =	sdelay $0x1  }
0x57: {  	v1 =	vadd.s32 s1, v1  }
0x58: {  	v1 =	vadd.s32 v0, v1  }
0x59: {  	s9 =	simm.s32 $0x0;
	[tilespmem:s7+$0x0] =	vst v1  }
0x5a: {  	[tilespmem:s31], [sflag:$0x2] =	stream.indirect.gather [hbm4b:s4+s30], $0x80, s9, s30, $0xb8;
	[tilespmem:$0x1A000] =	vst v63  }
0x5b: {  	_ =	swait.ge [sflag:s2], $0xC800  }
0x5c: {  	[sflag:s2] =	ssyncset.done $0x0  }
0x5d: {  	[sflag:s2] =	ssyncadd.s32 $0xFFFF3800  }
0x5e: {  	[hbm4b:s13+s9] =	stream.linear.scatter [tilespmem:s31], [sflag:$0x3], $0xC800, $0x38;
	[tilespmem:$0x1A000] =	vst v63  }
0x5f: {  	_ =	swait.ge [sflag:s29], $0x190  }
0x60: {  	[sflag:s29] =	ssyncset.done $0x0  }
0x61: {  	s10 =	simm.s32 $0x0;
	[sflag:s29] =	ssyncadd.s32 $0xFFFFFE70  }
0x62: {  	v1 =	vld [tilespmem:s10+$0x200];
	_ =	sdelay $0x4  }
0x63: {  	v1 =	vadd.s32 s6, v1  }
0x64: {  	v1 =	vadd.s32 v0, v1  }
0x65: {  	s1 =	smov.u32 s8;
	s7 =	simm.s32 $0x10;
	s9 =	simm.s32 $0x80;
	[tilespmem:s10+$0x200] =	vst v1  }
.LBB2_4:
0x66: {  	p1 =	sne.s32 s9, $0x600;
	v1 =	vld [tilespmem:s7+$0x200];
	s1 =	sadd.s32 $0x1, s1  }
0x67: {  	s10 =	sand.u32 $0x3, s1  }
0x68: {  	s10 =	smul.u32 $0x5F0, s10  }
.Ltmp3:
0x69: {  	(pc) =	sbr.rel @p1 .LBB2_4-.Ltmp3, $4  }
0x6a: {  	_ = 	snop  }
0x6b: {  	v1 =	vadd.s32 s10, v1  }
0x6c: {  	v1 =	vadd.s32 v0, v1  }
0x6d: {  	[tilespmem:s7+$0x200] =	vst v1;
	s7 =	sshra.s32 s9, $0x2;
	s9 =	sadd.s32 $0x40, s9  }
0x6e: {  	v1 =	vld [tilespmem:s7+$0x200]  }
0x6f: {  	s1 =	sadd.s32 $0x1, s1  }
0x70: {  	s1 =	sand.u32 $0x3, s1  }
0x71: {  	s1 =	smul.u32 $0x5F0, s1;
	_ =	sdelay $0x1  }
0x72: {  	v1 =	vadd.s32 s1, v1  }
0x73: {  	v1 =	vadd.s32 v0, v1  }
0x74: {  	[tilespmem:s7+$0x200] =	vst v1  }
0x75: {  	[tilespmem:s0], [sflag:$0x2] =	stream.indirect.gather [hbm4b:s4+s30], $0x80, s22, s30, $0xb8;
	[tilespmem:$0x1A000] =	vst v63  }
0x76: {  	_ =	swait.ge [sflag:s2], $0xC800  }
0x77: {  	[sflag:s2] =	ssyncset.done $0x0  }
0x78: {  	s9 =	simm.s32 $0x0;
	[sflag:s2] =	ssyncadd.s32 $0xFFFF3800  }
0x79: {  	[hbm4b:s14+s9] =	stream.linear.scatter [tilespmem:s0], [sflag:$0x3], $0xC800, $0x38;
	[tilespmem:$0x1A000] =	vst v63  }
0x7a: {  	_ =	swait.ge [sflag:s20], $0xC800  }
0x7b: {  	[sflag:s20] =	ssyncset.done $0x0  }
0x7c: {  	[sflag:s20] =	ssyncadd.s32 $0xFFFF3800  }
0x7d: {  	_ =	swait.ge [sflag:s29], $0x190  }
0x7e: {  	[sflag:s29] =	ssyncset.done $0x0  }
0x7f: {  	s10 =	simm.s32 $0x0;
	[sflag:s29] =	ssyncadd.s32 $0xFFFFFE70  }
0x80: {  	v1 =	vld [tilespmem:s10+$0x400];
	_ =	sdelay $0x4  }
0x81: {  	v1 =	vadd.s32 s6, v1  }
0x82: {  	v1 =	vadd.s32 v0, v1  }
0x83: {  	s1 =	smov.u32 s8;
	s7 =	simm.s32 $0x10;
	s9 =	simm.s32 $0x80;
	[tilespmem:s10+$0x400] =	vst v1  }
.LBB2_6:
0x84: {  	p1 =	sne.s32 s9, $0x600;
	v1 =	vld [tilespmem:s7+$0x400];
	s1 =	sadd.s32 $0x1, s1  }
0x85: {  	s10 =	sand.u32 $0x3, s1  }
0x86: {  	s10 =	smul.u32 $0x5F0, s10  }
.Ltmp4:
0x87: {  	(pc) =	sbr.rel @p1 .LBB2_6-.Ltmp4, $4  }
0x88: {  	_ = 	snop  }
0x89: {  	v1 =	vadd.s32 s10, v1  }
0x8a: {  	v1 =	vadd.s32 v0, v1  }
0x8b: {  	[tilespmem:s7+$0x400] =	vst v1;
	s7 =	sshra.s32 s9, $0x2;
	s9 =	sadd.s32 $0x40, s9  }
0x8c: {  	v1 =	vld [tilespmem:s7+$0x400]  }
0x8d: {  	s1 =	sadd.s32 $0x1, s1  }
0x8e: {  	s1 =	sand.u32 $0x3, s1  }
0x8f: {  	s1 =	smul.u32 $0x5F0, s1;
	_ =	sdelay $0x1  }
0x90: {  	v1 =	vadd.s32 s1, v1  }
0x91: {  	v1 =	vadd.s32 v0, v1  }
0x92: {  	[tilespmem:s7+$0x400] =	vst v1  }
0x93: {  	[tilespmem:s31], [sflag:$0x2] =	stream.indirect.gather [hbm4b:s4+s30], $0x80, s23, s30, $0xb8;
	[tilespmem:$0x1A000] =	vst v63  }
0x94: {  	_ =	swait.ge [sflag:s2], $0xC800  }
0x95: {  	[sflag:s2] =	ssyncset.done $0x0  }
0x96: {  	s9 =	simm.s32 $0x0;
	[sflag:s2] =	ssyncadd.s32 $0xFFFF3800  }
0x97: {  	[hbm4b:s15+s9] =	stream.linear.scatter [tilespmem:s31], [sflag:$0x3], $0xC800, $0x38;
	[tilespmem:$0x1A000] =	vst v63  }
0x98: {  	_ =	swait.ge [sflag:s20], $0xC800  }
0x99: {  	[sflag:s20] =	ssyncset.done $0x0  }
0x9a: {  	[sflag:s20] =	ssyncadd.s32 $0xFFFF3800  }
0x9b: {  	_ =	swait.ge [sflag:s29], $0x190  }
0x9c: {  	[sflag:s29] =	ssyncset.done $0x0  }
0x9d: {  	s10 =	simm.s32 $0x0;
	[sflag:s29] =	ssyncadd.s32 $0xFFFFFE70  }
0x9e: {  	v1 =	vld [tilespmem:s10+$0x600];
	_ =	sdelay $0x4  }
0x9f: {  	v1 =	vadd.s32 s6, v1  }
0xa0: {  	v1 =	vadd.s32 v0, v1  }
0xa1: {  	s1 =	smov.u32 s8;
	s7 =	simm.s32 $0x10;
	s9 =	simm.s32 $0x80;
	[tilespmem:s10+$0x600] =	vst v1  }
.LBB2_8:
0xa2: {  	p1 =	sne.s32 s9, $0x600;
	v1 =	vld [tilespmem:s7+$0x600];
	s1 =	sadd.s32 $0x1, s1  }
0xa3: {  	s10 =	sand.u32 $0x3, s1  }
0xa4: {  	s10 =	smul.u32 $0x5F0, s10  }
.Ltmp5:
0xa5: {  	(pc) =	sbr.rel @p1 .LBB2_8-.Ltmp5, $4  }
0xa6: {  	_ = 	snop  }
0xa7: {  	v1 =	vadd.s32 s10, v1  }
0xa8: {  	v1 =	vadd.s32 v0, v1  }
0xa9: {  	[tilespmem:s7+$0x600] =	vst v1;
	s7 =	sshra.s32 s9, $0x2;
	s9 =	sadd.s32 $0x40, s9  }
0xaa: {  	v1 =	vld [tilespmem:s7+$0x600]  }
0xab: {  	s1 =	sadd.s32 $0x1, s1  }
0xac: {  	s1 =	sand.u32 $0x3, s1  }
0xad: {  	s1 =	smul.u32 $0x5F0, s1;
	_ =	sdelay $0x1  }
0xae: {  	v1 =	vadd.s32 s1, v1  }
0xaf: {  	v1 =	vadd.s32 v0, v1  }
0xb0: {  	[tilespmem:s7+$0x600] =	vst v1  }
0xb1: {  	[tilespmem:s0], [sflag:$0x2] =	stream.indirect.gather [hbm4b:s4+s30], $0x80, s24, s30, $0xb8;
	[tilespmem:$0x1A000] =	vst v63  }
0xb2: {  	_ =	swait.ge [sflag:s2], $0xC800  }
0xb3: {  	[sflag:s2] =	ssyncset.done $0x0  }
0xb4: {  	s9 =	simm.s32 $0x0;
	[sflag:s2] =	ssyncadd.s32 $0xFFFF3800  }
0xb5: {  	[hbm4b:s16+s9] =	stream.linear.scatter [tilespmem:s0], [sflag:$0x3], $0xC800, $0x38;
	[tilespmem:$0x1A000] =	vst v63  }
0xb6: {  	_ =	swait.ge [sflag:s20], $0xC800  }
0xb7: {  	[sflag:s20] =	ssyncset.done $0x0  }
0xb8: {  	[sflag:s20] =	ssyncadd.s32 $0xFFFF3800  }
0xb9: {  	_ =	swait.ge [sflag:s29], $0x190  }
0xba: {  	[sflag:s29] =	ssyncset.done $0x0  }
0xbb: {  	s10 =	simm.s32 $0x0;
	[sflag:s29] =	ssyncadd.s32 $0xFFFFFE70  }
0xbc: {  	v1 =	vld [tilespmem:s10+$0x800];
	_ =	sdelay $0x4  }
0xbd: {  	v1 =	vadd.s32 s6, v1  }
0xbe: {  	v1 =	vadd.s32 v0, v1  }
0xbf: {  	s1 =	smov.u32 s8;
	s7 =	simm.s32 $0x10;
	s9 =	simm.s32 $0x80;
	[tilespmem:s10+$0x800] =	vst v1  }
.LBB2_10:
0xc0: {  	p1 =	sne.s32 s9, $0x600;
	v1 =	vld [tilespmem:s7+$0x800];
	s1 =	sadd.s32 $0x1, s1  }
0xc1: {  	s10 =	sand.u32 $0x3, s1  }
0xc2: {  	s10 =	smul.u32 $0x5F0, s10  }
.Ltmp6:
0xc3: {  	(pc) =	sbr.rel @p1 .LBB2_10-.Ltmp6, $4  }
0xc4: {  	_ = 	snop  }
0xc5: {  	v1 =	vadd.s32 s10, v1  }
0xc6: {  	v1 =	vadd.s32 v0, v1  }
0xc7: {  	[tilespmem:s7+$0x800] =	vst v1;
	s7 =	sshra.s32 s9, $0x2;
	s9 =	sadd.s32 $0x40, s9  }
0xc8: {  	v1 =	vld [tilespmem:s7+$0x800]  }
0xc9: {  	s1 =	sadd.s32 $0x1, s1  }
0xca: {  	s1 =	sand.u32 $0x3, s1  }
0xcb: {  	s1 =	smul.u32 $0x5F0, s1;
	_ =	sdelay $0x1  }
0xcc: {  	v1 =	vadd.s32 s1, v1  }
0xcd: {  	v1 =	vadd.s32 v0, v1  }
0xce: {  	[tilespmem:s7+$0x800] =	vst v1  }
0xcf: {  	[tilespmem:s31], [sflag:$0x2] =	stream.indirect.gather [hbm4b:s4+s30], $0x80, s25, s30, $0xb8;
	[tilespmem:$0x1A000] =	vst v63  }
0xd0: {  	_ =	swait.ge [sflag:s2], $0xC800  }
0xd1: {  	[sflag:s2] =	ssyncset.done $0x0  }
0xd2: {  	s9 =	simm.s32 $0x0;
	[sflag:s2] =	ssyncadd.s32 $0xFFFF3800  }
0xd3: {  	[hbm4b:s17+s9] =	stream.linear.scatter [tilespmem:s31], [sflag:$0x3], $0xC800, $0x38;
	[tilespmem:$0x1A000] =	vst v63  }
0xd4: {  	_ =	swait.ge [sflag:s20], $0xC800  }
0xd5: {  	[sflag:s20] =	ssyncset.done $0x0  }
0xd6: {  	[sflag:s20] =	ssyncadd.s32 $0xFFFF3800  }
0xd7: {  	_ =	swait.ge [sflag:s29], $0x190  }
0xd8: {  	[sflag:s29] =	ssyncset.done $0x0  }
0xd9: {  	s10 =	simm.s32 $0x0;
	[sflag:s29] =	ssyncadd.s32 $0xFFFFFE70  }
0xda: {  	v1 =	vld [tilespmem:s10+$0xA00];
	_ =	sdelay $0x4  }
0xdb: {  	v1 =	vadd.s32 s6, v1  }
0xdc: {  	v1 =	vadd.s32 v0, v1  }
0xdd: {  	s1 =	smov.u32 s8;
	s7 =	simm.s32 $0x10;
	s9 =	simm.s32 $0x80;
	[tilespmem:s10+$0xA00] =	vst v1  }
.LBB2_12:
0xde: {  	p1 =	sne.s32 s9, $0x600;
	v1 =	vld [tilespmem:s7+$0xA00];
	s1 =	sadd.s32 $0x1, s1  }
0xdf: {  	s10 =	sand.u32 $0x3, s1  }
0xe0: {  	s10 =	smul.u32 $0x5F0, s10  }
.Ltmp7:
0xe1: {  	(pc) =	sbr.rel @p1 .LBB2_12-.Ltmp7, $4  }
0xe2: {  	_ = 	snop  }
0xe3: {  	v1 =	vadd.s32 s10, v1  }
0xe4: {  	v1 =	vadd.s32 v0, v1  }
0xe5: {  	[tilespmem:s7+$0xA00] =	vst v1;
	s7 =	sshra.s32 s9, $0x2;
	s9 =	sadd.s32 $0x40, s9  }
0xe6: {  	v1 =	vld [tilespmem:s7+$0xA00]  }
0xe7: {  	s1 =	sadd.s32 $0x1, s1  }
0xe8: {  	s1 =	sand.u32 $0x3, s1  }
0xe9: {  	s1 =	smul.u32 $0x5F0, s1;
	_ =	sdelay $0x1  }
0xea: {  	v1 =	vadd.s32 s1, v1  }
0xeb: {  	v1 =	vadd.s32 v0, v1  }
0xec: {  	[tilespmem:s7+$0xA00] =	vst v1  }
0xed: {  	[tilespmem:s0], [sflag:$0x2] =	stream.indirect.gather [hbm4b:s4+s30], $0x80, s26, s30, $0xb8;
	[tilespmem:$0x1A000] =	vst v63  }
0xee: {  	_ =	swait.ge [sflag:s2], $0xC800  }
0xef: {  	[sflag:s2] =	ssyncset.done $0x0  }
0xf0: {  	s9 =	simm.s32 $0x0;
	[sflag:s2] =	ssyncadd.s32 $0xFFFF3800  }
0xf1: {  	[hbm4b:s18+s9] =	stream.linear.scatter [tilespmem:s0], [sflag:$0x3], $0xC800, $0x38;
	[tilespmem:$0x1A000] =	vst v63  }
0xf2: {  	_ =	swait.ge [sflag:s20], $0xC800  }
0xf3: {  	[sflag:s20] =	ssyncset.done $0x0  }
0xf4: {  	[sflag:s20] =	ssyncadd.s32 $0xFFFF3800  }
0xf5: {  	_ =	swait.ge [sflag:s29], $0x190  }
0xf6: {  	[sflag:s29] =	ssyncset.done $0x0  }
0xf7: {  	s10 =	simm.s32 $0x0;
	[sflag:s29] =	ssyncadd.s32 $0xFFFFFE70  }
0xf8: {  	v1 =	vld [tilespmem:s10+$0xC00];
	_ =	sdelay $0x4  }
0xf9: {  	v1 =	vadd.s32 s6, v1  }
0xfa: {  	v1 =	vadd.s32 v0, v1  }
0xfb: {  	s1 =	smov.u32 s8;
	s7 =	simm.s32 $0x10;
	s9 =	simm.s32 $0x80;
	[tilespmem:s10+$0xC00] =	vst v1  }
.LBB2_14:
0xfc: {  	p1 =	sne.s32 s9, $0x600;
	v1 =	vld [tilespmem:s7+$0xC00];
	s1 =	sadd.s32 $0x1, s1  }
0xfd: {  	s10 =	sand.u32 $0x3, s1  }
0xfe: {  	s10 =	smul.u32 $0x5F0, s10  }
.Ltmp8:
0xff: {  	(pc) =	sbr.rel @p1 .LBB2_14-.Ltmp8, $4  }
0x100: {  	_ = 	snop  }
0x101: {  	v1 =	vadd.s32 s10, v1  }
0x102: {  	v1 =	vadd.s32 v0, v1  }
0x103: {  	[tilespmem:s7+$0xC00] =	vst v1;
	s7 =	sshra.s32 s9, $0x2;
	s9 =	sadd.s32 $0x40, s9  }
0x104: {  	v1 =	vld [tilespmem:s7+$0xC00]  }
0x105: {  	s1 =	sadd.s32 $0x1, s1  }
0x106: {  	s1 =	sand.u32 $0x3, s1  }
0x107: {  	s1 =	smul.u32 $0x5F0, s1;
	_ =	sdelay $0x1  }
0x108: {  	v1 =	vadd.s32 s1, v1  }
0x109: {  	v1 =	vadd.s32 v0, v1  }
0x10a: {  	[tilespmem:s7+$0xC00] =	vst v1  }
0x10b: {  	[tilespmem:s31], [sflag:$0x2] =	stream.indirect.gather [hbm4b:s4+s30], $0x80, s28, s30, $0xb8;
	[tilespmem:$0x1A000] =	vst v63  }
0x10c: {  	_ =	swait.ge [sflag:s2], $0xC800  }
0x10d: {  	[sflag:s2] =	ssyncset.done $0x0  }
.Ltmp9:
0x10e: {  	[sflag:s2] =	ssyncadd.s32 $0xFFFF3800;
	(pc) =	sbr.rel @p0 .LBB2_19-.Ltmp9, $4  }
0x10f: {  	[hbm4b:s19+s3] =	stream.linear.scatter [tilespmem:s31], [sflag:$0x3], $0xC800, $0x38;
	[tilespmem:$0x1A000] =	vst v63  }
0x110: {  	_ =	swait.ge [sflag:s20], $0xC800  }
0x111: {  	[sflag:s20] =	ssyncset.done $0x0  }
0x112: {  	[sflag:s20] =	ssyncadd.s32 $0xFFFF3800  }
0x113: {  	_ =	swait.ge [sflag:s29], $0x190  }
0x114: {  	[sflag:s29] =	ssyncset.done $0x0  }
0x115: {  	s1 =	simm.s32 $0x0;
	[sflag:s29] =	ssyncadd.s32 $0xFFFFFE70  }
0x116: {  	v1 =	vld [tilespmem:s1+$0xE00];
	_ =	sdelay $0x4  }
0x117: {  	v1 =	vadd.s32 s6, v1  }
0x118: {  	v1 =	vadd.s32 v0, v1  }
0x119: {  	s7 =	simm.s32 $0x80;
	s6 =	simm.s32 $0x10;
	[tilespmem:s1+$0xE00] =	vst v1;
	s1 =	smov.u32 s8  }
.LBB2_17:
0x11a: {  	p1 =	sne.s32 s7, $0x600;
	v1 =	vld [tilespmem:s6+$0xE00];
	s1 =	sadd.s32 $0x1, s1  }
0x11b: {  	s9 =	sand.u32 $0x3, s1  }
0x11c: {  	s9 =	smul.u32 $0x5F0, s9  }
.Ltmp10:
0x11d: {  	(pc) =	sbr.rel @p1 .LBB2_17-.Ltmp10, $4  }
0x11e: {  	_ = 	snop  }
0x11f: {  	v1 =	vadd.s32 s9, v1  }
0x120: {  	v1 =	vadd.s32 v0, v1  }
0x121: {  	[tilespmem:s6+$0xE00] =	vst v1;
	s6 =	sshra.s32 s7, $0x2;
	s7 =	sadd.s32 $0x40, s7  }
.Ltmp11:
0x122: {  	_ = 	snop;
	(pc) =	sbr.rel .LBB2_18-.Ltmp11, $1  }
0x123: {  	_ =	sdelay $0x3  }
.LBB2_20:
0x124: {  	_ =	sfence.sel $0x180000  }
0x125: {  	[bflag:$0x0] =	sbarrier.arrive $0xFFFF  }
0x126: {  	_ =	strace $0x90000047  }
0x127: {  	s0 =	stileid.u32;
	[bflag:$0x2] =	sbarrier.arrive $0xFFFF  }
0x128: {  	p0 =	sne.s32 s0, $0x0;
	s0 =	rddreg [dreg:$0x3]  }
0x129: {  	s0 =	sadd.s32 @!p0 $0x100000, s0  }
0x12a: {  	[sflag:s0] =	ssyncadd.tile.s32 @!p0 $0x1;
	_ =	shalt  }
.Lfunc_end2:
_tile_overlayer_lowered:
.L_overlay_start_2:
0x12b: {  	(tag) =	ssettag $0x2  }
0x12c: {  	s0 =	rddreg [dreg:$0x0];
	s2 =	stileid.u32  }
0x12d: {  	s1 =	rddreg [dreg:$0x1];
	p0 =	sne.s32 s2, $0x0  }
0x12e: {  	s3 =	rddreg [dreg:$0x2];
	[bflag:$0x3] =	sbarrier.arrive $0xFFFF;
	s2 =	simm.s32 @!p0 $0x1C04  }
0x12f: {  	[timem:s3], [sflag:s2] =	dma.local @!p0 [hbm:s0], s1  }
0x130: {  	s0 =	simm.s32 @!p0 $0x4  }
0x131: {  	_ =	swait.ge @!p0 [sflag:s0], s1  }
0x132: {  	s1 =	ssub.s32 @!p0 $0x0, s1;
	[sflag:s0] =	ssyncset.done @!p0 $0x0  }
0x133: {  	[sflag:s0] =	ssyncadd.s32 @!p0 s1  }
0x134: {  	[bflag:$0x3] =	sbarrier.arrive $0xFFFF  }
0x135: {  	_ =	shalt  }

</sc_bundles>
